<compile_context>
chip_gen: v7x
topology: tpu7x:2x2x1
jax: 0.10.2.dev20260603
libtpu: 0.0.44.dev20260713+nightly
codegen_flags: <defaults>
</compile_context>

<pallas_src>
import functools

import jax
import jax.numpy as jnp
from jax import lax
from jax.experimental import pallas as pl
from jax.experimental.pallas import tpu as pltpu
from jax.experimental.pallas import tpu_sc as plsc

E = 64
EP = 128
K = 8
D = 4096
T = 8192

BT = 512
CT0 = 6144
CT1 = T - CT0
NW = 32
TPW = CT0 // NW
NG = TPW // 16
L = 16



def _gate_body(x_ref, w1_ref, w2_ref, out_ref):
    h = jnp.tanh(jnp.dot(x_ref[...], w1_ref[...]))
    out_ref[...] = jnp.dot(h, w2_ref[...])


def _gate_topk_body(x_ref, w1_ref, w2_ref, oi_ref, os_ref):
    h = jnp.tanh(jnp.dot(x_ref[...], w1_ref[...]))
    lg = jnp.dot(h, w2_ref[...])
    cols = lax.broadcasted_iota(jnp.int32, (BT, E), 1)
    vals, idxs = [], []
    for r in range(K):
        m = jnp.max(lg, axis=1, keepdims=True)
        sel = jnp.min(jnp.where(lg == m, cols, E), axis=1, keepdims=True)
        vals.append(m)
        idxs.append(sel)
        lg = jnp.where(cols == sel, -jnp.inf, lg)
    exps = [jnp.exp(v - vals[0]) for v in vals]
    s = exps[0]
    for r in range(1, K):
        s = s + exps[r]
    inv = 1.0 / s
    oi_ref[...] = jnp.concatenate(idxs, axis=1)
    os_ref[...] = jnp.concatenate([e * inv for e in exps], axis=1)


def _gate_topk(x, W1, W2):
    off = CT0 // BT
    return pl.pallas_call(
        _gate_topk_body,
        grid=(CT1 // BT,),
        in_specs=[
            pl.BlockSpec((BT, D), lambda i: (off + i, 0)),
            pl.BlockSpec((D, E), lambda i: (0, 0)),
            pl.BlockSpec((E, E), lambda i: (0, 0)),
        ],
        out_specs=[
            pl.BlockSpec((BT, K), lambda i: (i, 0)),
            pl.BlockSpec((BT, K), lambda i: (i, 0)),
        ],
        out_shape=(
            jax.ShapeDtypeStruct((CT1, K), jnp.int32),
            jax.ShapeDtypeStruct((CT1, K), jnp.float32),
        ),
    )(x, W1, W2)


def _gate_logits(x, W1, W2):
    return pl.pallas_call(
        _gate_body,
        grid=(CT0 // BT,),
        in_specs=[
            pl.BlockSpec((BT, D), lambda i: (i, 0)),
            pl.BlockSpec((D, E), lambda i: (0, 0)),
            pl.BlockSpec((E, E), lambda i: (0, 0)),
        ],
        out_specs=pl.BlockSpec((BT, E), lambda i: (i, 0)),
        out_shape=jax.ShapeDtypeStruct((CT0, E), jnp.float32),
    )(x, W1, W2)



def _topk_body(lg_hbm, oi_hbm, os_hbm, lg_v, oi_v, os_v):
    wid = lax.axis_index("s") * 2 + lax.axis_index("c")
    pltpu.sync_copy(lg_hbm.at[pl.ds(wid * TPW, TPW)], lg_v)

    lane = lax.iota(jnp.int32, L)

    def group_body(g, _):
        rows_ab = [2 * g * L + lane, (2 * g + 1) * L + lane]

        neg_inf = jnp.full((L,), -jnp.inf, jnp.float32)
        zero_i = jnp.zeros((L,), jnp.int32)
        init = tuple(neg_inf for _ in range(K)) + tuple(zero_i for _ in range(K))

        def expert_body(e, carry):
            ca, cb = carry
            iv0 = jnp.full((L,), 0, jnp.int32) + e
            out = []
            for rows, c in ((rows_ab[0], ca), (rows_ab[1], cb)):
                ts, is_ = c[:K], c[K:]
                v = plsc.load_gather(lg_v, [rows, iv0])
                iv = iv0
                ins = jnp.zeros((L,), jnp.bool_)
                new_ts, new_is = [], []
                for r in range(K):
                    gt = v > ts[r]
                    cond = jnp.logical_or(ins, gt)
                    new_ts.append(jnp.maximum(v, ts[r]))
                    v = jnp.minimum(v, ts[r])
                    new_is.append(jnp.where(cond, iv, is_[r]))
                    iv = jnp.where(cond, is_[r], iv)
                    ins = cond
                out.append(tuple(new_ts) + tuple(new_is))
            return tuple(out)

        ca, cb = lax.fori_loop(0, E, expert_body, (init, init))

        for rows, c in ((rows_ab[0], ca), (rows_ab[1], cb)):
            ts, is_ = c[:K], c[K:]
            exps = [jnp.exp(t - ts[0]) for t in ts]
            s = exps[0]
            for r in range(1, K):
                s = s + exps[r]
            inv = 1.0 / s
            for r in range(K):
                colr = jnp.full((L,), r, jnp.int32)
                plsc.store_scatter(oi_v, [rows, colr], is_[r])
                plsc.store_scatter(os_v, [rows, colr], exps[r] * inv)
        return _

    lax.fori_loop(0, NG // 2, group_body, None)

    pltpu.sync_copy(oi_v, oi_hbm.at[pl.ds(wid * TPW, TPW)])
    pltpu.sync_copy(os_v, os_hbm.at[pl.ds(wid * TPW, TPW)])


@functools.cache
def _topk_sc():
    return pl.kernel(
        _topk_body,
        out_type=(
            jax.ShapeDtypeStruct((CT0, K), jnp.int32),
            jax.ShapeDtypeStruct((CT0, K), jnp.float32),
        ),
        mesh=plsc.VectorSubcoreMesh(core_axis_name="c", subcore_axis_name="s"),
        compiler_params=pltpu.CompilerParams(needs_layout_passes=False),
        scratch_types=[
            pltpu.VMEM((TPW, E), jnp.float32),
            pltpu.VMEM((TPW, K), jnp.int32),
            pltpu.VMEM((TPW, K), jnp.float32),
        ],
    )


def kernel(x, W1, W2):
    logits0 = _gate_logits(x, W1, W2)
    idx0, scr0 = _topk_sc()(logits0)
    idx1, scr1 = _gate_topk(x, W1, W2)
    return (jnp.concatenate([idx0, idx1], 0),
            jnp.concatenate([scr0, scr1], 0))

# --- scband reference (transcript-rebuilt; emitter-appended) ---
"""Pipeline reference for scband-top-kbalanced-noisy-gate-51908974739638 (READ-ONLY COPY).

The authoritative reference and input builder live on the scoring server;
editing this copy changes nothing except your own understanding.
"""

import jax, jax.numpy as jnp
import numpy as np

NUM_EXPERTS = 64
NUM_SELECTS = 8
D_MODEL = 4096
TOKENS = 8192


def setup_inputs(seed: int = 0) -> dict:
    key = jax.random.key(seed)
    k1, k2, k3 = jax.random.split(key, 3)
    x = jax.random.normal(k1, (TOKENS, D_MODEL), dtype=jnp.float32)
    # mlp gate: Linear(input_size, E, bias=False) -> Tanh -> Linear(E, E, bias=False)
    # stored as right-multiply matrices: W1 [d_model, E], W2 [E, E]
    W1 = jax.random.normal(k2, (D_MODEL, NUM_EXPERTS), dtype=jnp.float32) * 0.02
    W2 = jax.random.normal(k3, (NUM_EXPERTS, NUM_EXPERTS), dtype=jnp.float32) * 0.1
    return {"x": x, "W1": W1, "W2": W2}


def reference(x, W1, W2):
    # gate_network (mlp): logits_gate = Linear2(tanh(Linear1(x)))
    logits_gate = jnp.tanh(x @ W1) @ W2
    # eval path / add_noise=False: logits = logits_gate
    logits = logits_gate
    k = min(NUM_SELECTS + 1, NUM_EXPERTS)
    top_logits, top_indices = jax.lax.top_k(logits, k)
    top_k_logits = top_logits[:, :NUM_SELECTS]
    top_k_indices = top_indices[:, :NUM_SELECTS]
    # use_softmax=True: softmax over the selected k logits (dim=1)
    top_k_scores = jax.nn.softmax(top_k_logits, axis=1)
    # use_balance=False / add_noise=False -> gate_loss is None; omit from outputs
    return top_k_indices, top_k_scores

if __name__ == "__main__":
    import jax
    _d = setup_inputs()
    print(jax.jit(kernel)(*tuple(_d.values())))

</pallas_src>

<mosaic_0001>
#map = affine_map<(d0, d1) -> (0, 0)>
module attributes {stable_mosaic.version = 14 : i64} {
  func.func @_topk_body(%arg0: i32, %arg1: i32, %arg2: memref<6144x64xf32, #tpu.memory_space<hbm>>, %arg3: memref<6144x8xi32, #tpu.memory_space<hbm>>, %arg4: memref<6144x8xf32, #tpu.memory_space<hbm>>, %arg5: memref<192x64xf32, #tpu.memory_space<vmem>>, %arg6: memref<192x8xi32, #tpu.memory_space<vmem>>, %arg7: memref<192x8xf32, #tpu.memory_space<vmem>>) attributes {dimension_semantics = [#tpu.dimension_semantics<core_parallel>, #tpu.dimension_semantics<subcore_parallel>], iteration_bounds = array<i64: 2, 16>, scalar_prefetch = 0 : i64, scratch_operands = 3 : i64, tpu.core_type = #tpu.core_type<sc_vector_subcore>, window_params = [{transform_indices = #map}, {transform_indices = #map}, {transform_indices = #map}]} {
    %mul3A = arith.constant 2 : i32
    %mul3A_0 = arith.muli %arg1, %mul3A : i32
    %add3A = arith.addi %mul3A_0, %arg0 : i32
    %mul3A_1 = arith.constant 192 : i32
    %mul3A_2 = arith.muli %add3A, %mul3A_1 : i32
    "tpu.region"() ({
      %run_scoped3A = tpu.sem_alloc : memref<!tpu.dma_semaphore, #tpu.memory_space<semaphore_mem>>
      %dma_start3A = arith.constant 0 : i32
      %dma_start3A_11 = tpu.memref_slice %arg2[%mul3A_2, %dma_start3A] : memref<6144x64xf32, #tpu.memory_space<hbm>> -> memref<192x64xf32, #tpu.memory_space<hbm>>
      %dma_start3A_12 = arith.constant 0 : i32
      %dma_start3A_13 = tpu.memref_slice %arg2[%mul3A_2, %dma_start3A_12] : memref<6144x64xf32, #tpu.memory_space<hbm>> -> memref<192x64xf32, #tpu.memory_space<hbm>>
      tpu.enqueue_dma source(%dma_start3A_13 : memref<192x64xf32, #tpu.memory_space<hbm>>) target(%arg5 : memref<192x64xf32, #tpu.memory_space<vmem>>) target_semaphore(%run_scoped3A : memref<!tpu.dma_semaphore, #tpu.memory_space<semaphore_mem>>)
      %dma_wait3A = arith.constant 0 : i32
      %dma_wait3A_14 = tpu.memref_slice %arg2[%mul3A_2, %dma_wait3A] : memref<6144x64xf32, #tpu.memory_space<hbm>> -> memref<192x64xf32, #tpu.memory_space<hbm>>
      %dma_wait3A_15 = arith.constant 0 : i32
      %dma_wait3A_16 = tpu.memref_slice %arg2[%mul3A_2, %dma_wait3A_15] : memref<6144x64xf32, #tpu.memory_space<hbm>> -> memref<192x64xf32, #tpu.memory_space<hbm>>
      tpu.wait_dma2 semaphore(%run_scoped3A : memref<!tpu.dma_semaphore, #tpu.memory_space<semaphore_mem>>) src(%dma_wait3A_16 : memref<192x64xf32, #tpu.memory_space<hbm>>) dst(%arg5 : memref<192x64xf32, #tpu.memory_space<vmem>>)
      tpu.yield
    }) : () -> ()
    %iota3A = tpu.iota {dimensions = array<i32: 0>} : vector<16xi32>
    %scan3A = arith.constant 0 : i32
    %scan3A_3 = arith.constant 6 : i32
    %scan3A_4 = arith.addi %scan3A, %scan3A_3 : i32
    %scan3A_5 = arith.constant 1 : i32
    scf.for %scan3A_11 = %scan3A to %scan3A_4 step %scan3A_5  : i32 {
      %mul3A_12 = arith.constant 2 : i32
      %mul3A_13 = arith.muli %mul3A_12, %scan3A_11 : i32
      %mul3A_14 = arith.constant 16 : i32
      %mul3A_15 = arith.muli %mul3A_13, %mul3A_14 : i32
      %add3A_16 = vector.broadcast %mul3A_15 : i32 to vector<16xi32>
      %add3A_17 = arith.addi %add3A_16, %iota3A : vector<16xi32>
      %mul3A_18 = arith.constant 2 : i32
      %mul3A_19 = arith.muli %mul3A_18, %scan3A_11 : i32
      %add3A_20 = arith.constant 1 : i32
      %add3A_21 = arith.addi %mul3A_19, %add3A_20 : i32
      %mul3A_22 = arith.constant 16 : i32
      %mul3A_23 = arith.muli %add3A_21, %mul3A_22 : i32
      %add3A_24 = vector.broadcast %mul3A_23 : i32 to vector<16xi32>
      %add3A_25 = arith.addi %add3A_24, %iota3A : vector<16xi32>
      %broadcast_in_dim3A = arith.constant 0xFF800000 : f32
      %broadcast_in_dim3A_26 = vector.broadcast %broadcast_in_dim3A : f32 to vector<16xf32>
      %broadcast_in_dim3A_27 = arith.constant 0 : i32
      %broadcast_in_dim3A_28 = vector.broadcast %broadcast_in_dim3A_27 : i32 to vector<16xi32>
      %scan3A_29 = arith.constant 0 : i32
      %scan3A_30 = arith.constant 64 : i32
      %scan3A_31 = arith.addi %scan3A_29, %scan3A_30 : i32
      %scan3A_32 = arith.constant 1 : i32
      %scan3A_33:32 = scf.for %scan3A_132 = %scan3A_29 to %scan3A_31 step %scan3A_32 iter_args(%scan3A_133 = %broadcast_in_dim3A_26, %scan3A_134 = %broadcast_in_dim3A_26, %scan3A_135 = %broadcast_in_dim3A_26, %scan3A_136 = %broadcast_in_dim3A_26, %scan3A_137 = %broadcast_in_dim3A_26, %scan3A_138 = %broadcast_in_dim3A_26, %scan3A_139 = %broadcast_in_dim3A_26, %scan3A_140 = %broadcast_in_dim3A_26, %scan3A_141 = %broadcast_in_dim3A_28, %scan3A_142 = %broadcast_in_dim3A_28, %scan3A_143 = %broadcast_in_dim3A_28, %scan3A_144 = %broadcast_in_dim3A_28, %scan3A_145 = %broadcast_in_dim3A_28, %scan3A_146 = %broadcast_in_dim3A_28, %scan3A_147 = %broadcast_in_dim3A_28, %scan3A_148 = %broadcast_in_dim3A_28, %scan3A_149 = %broadcast_in_dim3A_26, %scan3A_150 = %broadcast_in_dim3A_26, %scan3A_151 = %broadcast_in_dim3A_26, %scan3A_152 = %broadcast_in_dim3A_26, %scan3A_153 = %broadcast_in_dim3A_26, %scan3A_154 = %broadcast_in_dim3A_26, %scan3A_155 = %broadcast_in_dim3A_26, %scan3A_156 = %broadcast_in_dim3A_26, %scan3A_157 = %broadcast_in_dim3A_28, %scan3A_158 = %broadcast_in_dim3A_28, %scan3A_159 = %broadcast_in_dim3A_28, %scan3A_160 = %broadcast_in_dim3A_28, %scan3A_161 = %broadcast_in_dim3A_28, %scan3A_162 = %broadcast_in_dim3A_28, %scan3A_163 = %broadcast_in_dim3A_28, %scan3A_164 = %broadcast_in_dim3A_28) -> (vector<16xf32>, vector<16xf32>, vector<16xf32>, vector<16xf32>, vector<16xf32>, vector<16xf32>, vector<16xf32>, vector<16xf32>, vector<16xi32>, vector<16xi32>, vector<16xi32>, vector<16xi32>, vector<16xi32>, vector<16xi32>, vector<16xi32>, vector<16xi32>, vector<16xf32>, vector<16xf32>, vector<16xf32>, vector<16xf32>, vector<16xf32>, vector<16xf32>, vector<16xf32>, vector<16xf32>, vector<16xi32>, vector<16xi32>, vector<16xi32>, vector<16xi32>, vector<16xi32>, vector<16xi32>, vector<16xi32>, vector<16xi32>)  : i32 {
        %broadcast_in_dim3A_165 = arith.constant 0 : i32
        %broadcast_in_dim3A_166 = vector.broadcast %broadcast_in_dim3A_165 : i32 to vector<16xi32>
        %add3A_167 = vector.broadcast %scan3A_132 : i32 to vector<16xi32>
        %add3A_168 = arith.addi %broadcast_in_dim3A_166, %add3A_167 : vector<16xi32>
        %gather3A = tpu.vector_load_idx %arg5[%add3A_17, %add3A_168] : memref<192x64xf32, #tpu.memory_space<vmem>>[vector<16xi32>, vector<16xi32>], vector<16xf32>,
        %broadcast_in_dim3A_169 = arith.constant false
        %broadcast_in_dim3A_170 = vector.broadcast %broadcast_in_dim3A_169 : i1 to vector<16xi1>
        %gt3A = arith.cmpf ogt, %gather3A, %scan3A_133 : vector<16xf32>
        %or3A = arith.ori %broadcast_in_dim3A_170, %gt3A : vector<16xi1>
        %max3A = arith.maximumf %gather3A, %scan3A_133 : vector<16xf32>
        %min3A = arith.minimumf %gather3A, %scan3A_133 : vector<16xf32>
        %select_n3A = arith.select %or3A, %add3A_168, %scan3A_141 : vector<16xi1>, vector<16xi32>
        %select_n3A_171 = arith.select %or3A, %scan3A_141, %add3A_168 : vector<16xi1>, vector<16xi32>
        %gt3A_172 = arith.cmpf ogt, %min3A, %scan3A_134 : vector<16xf32>
        %or3A_173 = arith.ori %or3A, %gt3A_172 : vector<16xi1>
        %max3A_174 = arith.maximumf %min3A, %scan3A_134 : vector<16xf32>
        %min3A_175 = arith.minimumf %min3A, %scan3A_134 : vector<16xf32>
        %select_n3A_176 = arith.select %or3A_173, %select_n3A_171, %scan3A_142 : vector<16xi1>, vector<16xi32>
        %select_n3A_177 = arith.select %or3A_173, %scan3A_142, %select_n3A_171 : vector<16xi1>, vector<16xi32>
        %gt3A_178 = arith.cmpf ogt, %min3A_175, %scan3A_135 : vector<16xf32>
        %or3A_179 = arith.ori %or3A_173, %gt3A_178 : vector<16xi1>
        %max3A_180 = arith.maximumf %min3A_175, %scan3A_135 : vector<16xf32>
        %min3A_181 = arith.minimumf %min3A_175, %scan3A_135 : vector<16xf32>
        %select_n3A_182 = arith.select %or3A_179, %select_n3A_177, %scan3A_143 : vector<16xi1>, vector<16xi32>
        %select_n3A_183 = arith.select %or3A_179, %scan3A_143, %select_n3A_177 : vector<16xi1>, vector<16xi32>
        %gt3A_184 = arith.cmpf ogt, %min3A_181, %scan3A_136 : vector<16xf32>
        %or3A_185 = arith.ori %or3A_179, %gt3A_184 : vector<16xi1>
        %max3A_186 = arith.maximumf %min3A_181, %scan3A_136 : vector<16xf32>
        %min3A_187 = arith.minimumf %min3A_181, %scan3A_136 : vector<16xf32>
        %select_n3A_188 = arith.select %or3A_185, %select_n3A_183, %scan3A_144 : vector<16xi1>, vector<16xi32>
        %select_n3A_189 = arith.select %or3A_185, %scan3A_144, %select_n3A_183 : vector<16xi1>, vector<16xi32>
        %gt3A_190 = arith.cmpf ogt, %min3A_187, %scan3A_137 : vector<16xf32>
        %or3A_191 = arith.ori %or3A_185, %gt3A_190 : vector<16xi1>
        %max3A_192 = arith.maximumf %min3A_187, %scan3A_137 : vector<16xf32>
        %min3A_193 = arith.minimumf %min3A_187, %scan3A_137 : vector<16xf32>
        %select_n3A_194 = arith.select %or3A_191, %select_n3A_189, %scan3A_145 : vector<16xi1>, vector<16xi32>
        %select_n3A_195 = arith.select %or3A_191, %scan3A_145, %select_n3A_189 : vector<16xi1>, vector<16xi32>
        %gt3A_196 = arith.cmpf ogt, %min3A_193, %scan3A_138 : vector<16xf32>
        %or3A_197 = arith.ori %or3A_191, %gt3A_196 : vector<16xi1>
        %max3A_198 = arith.maximumf %min3A_193, %scan3A_138 : vector<16xf32>
        %min3A_199 = arith.minimumf %min3A_193, %scan3A_138 : vector<16xf32>
        %select_n3A_200 = arith.select %or3A_197, %select_n3A_195, %scan3A_146 : vector<16xi1>, vector<16xi32>
        %select_n3A_201 = arith.select %or3A_197, %scan3A_146, %select_n3A_195 : vector<16xi1>, vector<16xi32>
        %gt3A_202 = arith.cmpf ogt, %min3A_199, %scan3A_139 : vector<16xf32>
        %or3A_203 = arith.ori %or3A_197, %gt3A_202 : vector<16xi1>
        %max3A_204 = arith.maximumf %min3A_199, %scan3A_139 : vector<16xf32>
        %min3A_205 = arith.minimumf %min3A_199, %scan3A_139 : vector<16xf32>
        %select_n3A_206 = arith.select %or3A_203, %select_n3A_201, %scan3A_147 : vector<16xi1>, vector<16xi32>
        %select_n3A_207 = arith.select %or3A_203, %scan3A_147, %select_n3A_201 : vector<16xi1>, vector<16xi32>
        %gt3A_208 = arith.cmpf ogt, %min3A_205, %scan3A_140 : vector<16xf32>
        %or3A_209 = arith.ori %or3A_203, %gt3A_208 : vector<16xi1>
        %max3A_210 = arith.maximumf %min3A_205, %scan3A_140 : vector<16xf32>
        %min3A_211 = arith.minimumf %min3A_205, %scan3A_140 : vector<16xf32>
        %select_n3A_212 = arith.select %or3A_209, %select_n3A_207, %scan3A_148 : vector<16xi1>, vector<16xi32>
        %select_n3A_213 = arith.select %or3A_209, %scan3A_148, %select_n3A_207 : vector<16xi1>, vector<16xi32>
        %gather3A_214 = tpu.vector_load_idx %arg5[%add3A_25, %add3A_168] : memref<192x64xf32, #tpu.memory_space<vmem>>[vector<16xi32>, vector<16xi32>], vector<16xf32>,
        %broadcast_in_dim3A_215 = arith.constant false
        %broadcast_in_dim3A_216 = vector.broadcast %broadcast_in_dim3A_215 : i1 to vector<16xi1>
        %gt3A_217 = arith.cmpf ogt, %gather3A_214, %scan3A_149 : vector<16xf32>
        %or3A_218 = arith.ori %broadcast_in_dim3A_216, %gt3A_217 : vector<16xi1>
        %max3A_219 = arith.maximumf %gather3A_214, %scan3A_149 : vector<16xf32>
        %min3A_220 = arith.minimumf %gather3A_214, %scan3A_149 : vector<16xf32>
        %select_n3A_221 = arith.select %or3A_218, %add3A_168, %scan3A_157 : vector<16xi1>, vector<16xi32>
        %select_n3A_222 = arith.select %or3A_218, %scan3A_157, %add3A_168 : vector<16xi1>, vector<16xi32>
        %gt3A_223 = arith.cmpf ogt, %min3A_220, %scan3A_150 : vector<16xf32>
        %or3A_224 = arith.ori %or3A_218, %gt3A_223 : vector<16xi1>
        %max3A_225 = arith.maximumf %min3A_220, %scan3A_150 : vector<16xf32>
        %min3A_226 = arith.minimumf %min3A_220, %scan3A_150 : vector<16xf32>
        %select_n3A_227 = arith.select %or3A_224, %select_n3A_222, %scan3A_158 : vector<16xi1>, vector<16xi32>
        %select_n3A_228 = arith.select %or3A_224, %scan3A_158, %select_n3A_222 : vector<16xi1>, vector<16xi32>
        %gt3A_229 = arith.cmpf ogt, %min3A_226, %scan3A_151 : vector<16xf32>
        %or3A_230 = arith.ori %or3A_224, %gt3A_229 : vector<16xi1>
        %max3A_231 = arith.maximumf %min3A_226, %scan3A_151 : vector<16xf32>
        %min3A_232 = arith.minimumf %min3A_226, %scan3A_151 : vector<16xf32>
        %select_n3A_233 = arith.select %or3A_230, %select_n3A_228, %scan3A_159 : vector<16xi1>, vector<16xi32>
        %select_n3A_234 = arith.select %or3A_230, %scan3A_159, %select_n3A_228 : vector<16xi1>, vector<16xi32>
        %gt3A_235 = arith.cmpf ogt, %min3A_232, %scan3A_152 : vector<16xf32>
        %or3A_236 = arith.ori %or3A_230, %gt3A_235 : vector<16xi1>
        %max3A_237 = arith.maximumf %min3A_232, %scan3A_152 : vector<16xf32>
        %min3A_238 = arith.minimumf %min3A_232, %scan3A_152 : vector<16xf32>
        %select_n3A_239 = arith.select %or3A_236, %select_n3A_234, %scan3A_160 : vector<16xi1>, vector<16xi32>
        %select_n3A_240 = arith.select %or3A_236, %scan3A_160, %select_n3A_234 : vector<16xi1>, vector<16xi32>
        %gt3A_241 = arith.cmpf ogt, %min3A_238, %scan3A_153 : vector<16xf32>
        %or3A_242 = arith.ori %or3A_236, %gt3A_241 : vector<16xi1>
        %max3A_243 = arith.maximumf %min3A_238, %scan3A_153 : vector<16xf32>
        %min3A_244 = arith.minimumf %min3A_238, %scan3A_153 : vector<16xf32>
        %select_n3A_245 = arith.select %or3A_242, %select_n3A_240, %scan3A_161 : vector<16xi1>, vector<16xi32>
        %select_n3A_246 = arith.select %or3A_242, %scan3A_161, %select_n3A_240 : vector<16xi1>, vector<16xi32>
        %gt3A_247 = arith.cmpf ogt, %min3A_244, %scan3A_154 : vector<16xf32>
        %or3A_248 = arith.ori %or3A_242, %gt3A_247 : vector<16xi1>
        %max3A_249 = arith.maximumf %min3A_244, %scan3A_154 : vector<16xf32>
        %min3A_250 = arith.minimumf %min3A_244, %scan3A_154 : vector<16xf32>
        %select_n3A_251 = arith.select %or3A_248, %select_n3A_246, %scan3A_162 : vector<16xi1>, vector<16xi32>
        %select_n3A_252 = arith.select %or3A_248, %scan3A_162, %select_n3A_246 : vector<16xi1>, vector<16xi32>
        %gt3A_253 = arith.cmpf ogt, %min3A_250, %scan3A_155 : vector<16xf32>
        %or3A_254 = arith.ori %or3A_248, %gt3A_253 : vector<16xi1>
        %max3A_255 = arith.maximumf %min3A_250, %scan3A_155 : vector<16xf32>
        %min3A_256 = arith.minimumf %min3A_250, %scan3A_155 : vector<16xf32>
        %select_n3A_257 = arith.select %or3A_254, %select_n3A_252, %scan3A_163 : vector<16xi1>, vector<16xi32>
        %select_n3A_258 = arith.select %or3A_254, %scan3A_163, %select_n3A_252 : vector<16xi1>, vector<16xi32>
        %gt3A_259 = arith.cmpf ogt, %min3A_256, %scan3A_156 : vector<16xf32>
        %or3A_260 = arith.ori %or3A_254, %gt3A_259 : vector<16xi1>
        %max3A_261 = arith.maximumf %min3A_256, %scan3A_156 : vector<16xf32>
        %min3A_262 = arith.minimumf %min3A_256, %scan3A_156 : vector<16xf32>
        %select_n3A_263 = arith.select %or3A_260, %select_n3A_258, %scan3A_164 : vector<16xi1>, vector<16xi32>
        %select_n3A_264 = arith.select %or3A_260, %scan3A_164, %select_n3A_258 : vector<16xi1>, vector<16xi32>
        scf.yield %max3A, %max3A_174, %max3A_180, %max3A_186, %max3A_192, %max3A_198, %max3A_204, %max3A_210, %select_n3A, %select_n3A_176, %select_n3A_182, %select_n3A_188, %select_n3A_194, %select_n3A_200, %select_n3A_206, %select_n3A_212, %max3A_219, %max3A_225, %max3A_231, %max3A_237, %max3A_243, %max3A_249, %max3A_255, %max3A_261, %select_n3A_221, %select_n3A_227, %select_n3A_233, %select_n3A_239, %select_n3A_245, %select_n3A_251, %select_n3A_257, %select_n3A_263 : vector<16xf32>, vector<16xf32>, vector<16xf32>, vector<16xf32>, vector<16xf32>, vector<16xf32>, vector<16xf32>, vector<16xf32>, vector<16xi32>, vector<16xi32>, vector<16xi32>, vector<16xi32>, vector<16xi32>, vector<16xi32>, vector<16xi32>, vector<16xi32>, vector<16xf32>, vector<16xf32>, vector<16xf32>, vector<16xf32>, vector<16xf32>, vector<16xf32>, vector<16xf32>, vector<16xf32>, vector<16xi32>, vector<16xi32>, vector<16xi32>, vector<16xi32>, vector<16xi32>, vector<16xi32>, vector<16xi32>, vector<16xi32>
      }
      %scan3A_34 = arith.constant 64 : i32
      %sub3A = arith.subf %scan3A_33#0, %scan3A_33#0 : vector<16xf32>
      %exp3A = math.exp %sub3A : vector<16xf32>
      %sub3A_35 = arith.subf %scan3A_33#1, %scan3A_33#0 : vector<16xf32>
      %exp3A_36 = math.exp %sub3A_35 : vector<16xf32>
      %sub3A_37 = arith.subf %scan3A_33#2, %scan3A_33#0 : vector<16xf32>
      %exp3A_38 = math.exp %sub3A_37 : vector<16xf32>
      %sub3A_39 = arith.subf %scan3A_33#3, %scan3A_33#0 : vector<16xf32>
      %exp3A_40 = math.exp %sub3A_39 : vector<16xf32>
      %sub3A_41 = arith.subf %scan3A_33#4, %scan3A_33#0 : vector<16xf32>
      %exp3A_42 = math.exp %sub3A_41 : vector<16xf32>
      %sub3A_43 = arith.subf %scan3A_33#5, %scan3A_33#0 : vector<16xf32>
      %exp3A_44 = math.exp %sub3A_43 : vector<16xf32>
      %sub3A_45 = arith.subf %scan3A_33#6, %scan3A_33#0 : vector<16xf32>
      %exp3A_46 = math.exp %sub3A_45 : vector<16xf32>
      %sub3A_47 = arith.subf %scan3A_33#7, %scan3A_33#0 : vector<16xf32>
      %exp3A_48 = math.exp %sub3A_47 : vector<16xf32>
      %add3A_49 = arith.addf %exp3A, %exp3A_36 : vector<16xf32>
      %add3A_50 = arith.addf %add3A_49, %exp3A_38 : vector<16xf32>
      %add3A_51 = arith.addf %add3A_50, %exp3A_40 : vector<16xf32>
      %add3A_52 = arith.addf %add3A_51, %exp3A_42 : vector<16xf32>
      %add3A_53 = arith.addf %add3A_52, %exp3A_44 : vector<16xf32>
      %add3A_54 = arith.addf %add3A_53, %exp3A_46 : vector<16xf32>
      %add3A_55 = arith.addf %add3A_54, %exp3A_48 : vector<16xf32>
      %div3A = arith.constant 1.000000e+00 : f32
      %div3A_56 = vector.broadcast %div3A : f32 to vector<16xf32>
      %div3A_57 = arith.divf %div3A_56, %add3A_55 : vector<16xf32>
      %broadcast_in_dim3A_58 = arith.constant 0 : i32
      %broadcast_in_dim3A_59 = vector.broadcast %broadcast_in_dim3A_58 : i32 to vector<16xi32>
      tpu.vector_store_idx %arg6[%add3A_17, %broadcast_in_dim3A_59], %scan3A_33#8 : memref<192x8xi32, #tpu.memory_space<vmem>>[vector<16xi32>, vector<16xi32>], vector<16xi32>,
      %mul3A_60 = arith.mulf %exp3A, %div3A_57 : vector<16xf32>
      tpu.vector_store_idx %arg7[%add3A_17, %broadcast_in_dim3A_59], %mul3A_60 : memref<192x8xf32, #tpu.memory_space<vmem>>[vector<16xi32>, vector<16xi32>], vector<16xf32>,
      %broadcast_in_dim3A_61 = arith.constant 1 : i32
      %broadcast_in_dim3A_62 = vector.broadcast %broadcast_in_dim3A_61 : i32 to vector<16xi32>
      tpu.vector_store_idx %arg6[%add3A_17, %broadcast_in_dim3A_62], %scan3A_33#9 : memref<192x8xi32, #tpu.memory_space<vmem>>[vector<16xi32>, vector<16xi32>], vector<16xi32>,
      %mul3A_63 = arith.mulf %exp3A_36, %div3A_57 : vector<16xf32>
      tpu.vector_store_idx %arg7[%add3A_17, %broadcast_in_dim3A_62], %mul3A_63 : memref<192x8xf32, #tpu.memory_space<vmem>>[vector<16xi32>, vector<16xi32>], vector<16xf32>,
      %broadcast_in_dim3A_64 = arith.constant 2 : i32
      %broadcast_in_dim3A_65 = vector.broadcast %broadcast_in_dim3A_64 : i32 to vector<16xi32>
      tpu.vector_store_idx %arg6[%add3A_17, %broadcast_in_dim3A_65], %scan3A_33#10 : memref<192x8xi32, #tpu.memory_space<vmem>>[vector<16xi32>, vector<16xi32>], vector<16xi32>,
      %mul3A_66 = arith.mulf %exp3A_38, %div3A_57 : vector<16xf32>
      tpu.vector_store_idx %arg7[%add3A_17, %broadcast_in_dim3A_65], %mul3A_66 : memref<192x8xf32, #tpu.memory_space<vmem>>[vector<16xi32>, vector<16xi32>], vector<16xf32>,
      %broadcast_in_dim3A_67 = arith.constant 3 : i32
      %broadcast_in_dim3A_68 = vector.broadcast %broadcast_in_dim3A_67 : i32 to vector<16xi32>
      tpu.vector_store_idx %arg6[%add3A_17, %broadcast_in_dim3A_68], %scan3A_33#11 : memref<192x8xi32, #tpu.memory_space<vmem>>[vector<16xi32>, vector<16xi32>], vector<16xi32>,
      %mul3A_69 = arith.mulf %exp3A_40, %div3A_57 : vector<16xf32>
      tpu.vector_store_idx %arg7[%add3A_17, %broadcast_in_dim3A_68], %mul3A_69 : memref<192x8xf32, #tpu.memory_space<vmem>>[vector<16xi32>, vector<16xi32>], vector<16xf32>,
      %broadcast_in_dim3A_70 = arith.constant 4 : i32
      %broadcast_in_dim3A_71 = vector.broadcast %broadcast_in_dim3A_70 : i32 to vector<16xi32>
      tpu.vector_store_idx %arg6[%add3A_17, %broadcast_in_dim3A_71], %scan3A_33#12 : memref<192x8xi32, #tpu.memory_space<vmem>>[vector<16xi32>, vector<16xi32>], vector<16xi32>,
      %mul3A_72 = arith.mulf %exp3A_42, %div3A_57 : vector<16xf32>
      tpu.vector_store_idx %arg7[%add3A_17, %broadcast_in_dim3A_71], %mul3A_72 : memref<192x8xf32, #tpu.memory_space<vmem>>[vector<16xi32>, vector<16xi32>], vector<16xf32>,
      %broadcast_in_dim3A_73 = arith.constant 5 : i32
      %broadcast_in_dim3A_74 = vector.broadcast %broadcast_in_dim3A_73 : i32 to vector<16xi32>
      tpu.vector_store_idx %arg6[%add3A_17, %broadcast_in_dim3A_74], %scan3A_33#13 : memref<192x8xi32, #tpu.memory_space<vmem>>[vector<16xi32>, vector<16xi32>], vector<16xi32>,
      %mul3A_75 = arith.mulf %exp3A_44, %div3A_57 : vector<16xf32>
      tpu.vector_store_idx %arg7[%add3A_17, %broadcast_in_dim3A_74], %mul3A_75 : memref<192x8xf32, #tpu.memory_space<vmem>>[vector<16xi32>, vector<16xi32>], vector<16xf32>,
      %broadcast_in_dim3A_76 = arith.constant 6 : i32
      %broadcast_in_dim3A_77 = vector.broadcast %broadcast_in_dim3A_76 : i32 to vector<16xi32>
      tpu.vector_store_idx %arg6[%add3A_17, %broadcast_in_dim3A_77], %scan3A_33#14 : memref<192x8xi32, #tpu.memory_space<vmem>>[vector<16xi32>, vector<16xi32>], vector<16xi32>,
      %mul3A_78 = arith.mulf %exp3A_46, %div3A_57 : vector<16xf32>
      tpu.vector_store_idx %arg7[%add3A_17, %broadcast_in_dim3A_77], %mul3A_78 : memref<192x8xf32, #tpu.memory_space<vmem>>[vector<16xi32>, vector<16xi32>], vector<16xf32>,
      %broadcast_in_dim3A_79 = arith.constant 7 : i32
      %broadcast_in_dim3A_80 = vector.broadcast %broadcast_in_dim3A_79 : i32 to vector<16xi32>
      tpu.vector_store_idx %arg6[%add3A_17, %broadcast_in_dim3A_80], %scan3A_33#15 : memref<192x8xi32, #tpu.memory_space<vmem>>[vector<16xi32>, vector<16xi32>], vector<16xi32>,
      %mul3A_81 = arith.mulf %exp3A_48, %div3A_57 : vector<16xf32>
      tpu.vector_store_idx %arg7[%add3A_17, %broadcast_in_dim3A_80], %mul3A_81 : memref<192x8xf32, #tpu.memory_space<vmem>>[vector<16xi32>, vector<16xi32>], vector<16xf32>,
      %sub3A_82 = arith.subf %scan3A_33#16, %scan3A_33#16 : vector<16xf32>
      %exp3A_83 = math.exp %sub3A_82 : vector<16xf32>
      %sub3A_84 = arith.subf %scan3A_33#17, %scan3A_33#16 : vector<16xf32>
      %exp3A_85 = math.exp %sub3A_84 : vector<16xf32>
      %sub3A_86 = arith.subf %scan3A_33#18, %scan3A_33#16 : vector<16xf32>
      %exp3A_87 = math.exp %sub3A_86 : vector<16xf32>
      %sub3A_88 = arith.subf %scan3A_33#19, %scan3A_33#16 : vector<16xf32>
      %exp3A_89 = math.exp %sub3A_88 : vector<16xf32>
      %sub3A_90 = arith.subf %scan3A_33#20, %scan3A_33#16 : vector<16xf32>
      %exp3A_91 = math.exp %sub3A_90 : vector<16xf32>
      %sub3A_92 = arith.subf %scan3A_33#21, %scan3A_33#16 : vector<16xf32>
      %exp3A_93 = math.exp %sub3A_92 : vector<16xf32>
      %sub3A_94 = arith.subf %scan3A_33#22, %scan3A_33#16 : vector<16xf32>
      %exp3A_95 = math.exp %sub3A_94 : vector<16xf32>
      %sub3A_96 = arith.subf %scan3A_33#23, %scan3A_33#16 : vector<16xf32>
      %exp3A_97 = math.exp %sub3A_96 : vector<16xf32>
      %add3A_98 = arith.addf %exp3A_83, %exp3A_85 : vector<16xf32>
      %add3A_99 = arith.addf %add3A_98, %exp3A_87 : vector<16xf32>
      %add3A_100 = arith.addf %add3A_99, %exp3A_89 : vector<16xf32>
      %add3A_101 = arith.addf %add3A_100, %exp3A_91 : vector<16xf32>
      %add3A_102 = arith.addf %add3A_101, %exp3A_93 : vector<16xf32>
      %add3A_103 = arith.addf %add3A_102, %exp3A_95 : vector<16xf32>
      %add3A_104 = arith.addf %add3A_103, %exp3A_97 : vector<16xf32>
      %div3A_105 = arith.constant 1.000000e+00 : f32
      %div3A_106 = vector.broadcast %div3A_105 : f32 to vector<16xf32>
      %div3A_107 = arith.divf %div3A_106, %add3A_104 : vector<16xf32>
      %broadcast_in_dim3A_108 = arith.constant 0 : i32
      %broadcast_in_dim3A_109 = vector.broadcast %broadcast_in_dim3A_108 : i32 to vector<16xi32>
      tpu.vector_store_idx %arg6[%add3A_25, %broadcast_in_dim3A_109], %scan3A_33#24 : memref<192x8xi32, #tpu.memory_space<vmem>>[vector<16xi32>, vector<16xi32>], vector<16xi32>,
      %mul3A_110 = arith.mulf %exp3A_83, %div3A_107 : vector<16xf32>
      tpu.vector_store_idx %arg7[%add3A_25, %broadcast_in_dim3A_109], %mul3A_110 : memref<192x8xf32, #tpu.memory_space<vmem>>[vector<16xi32>, vector<16xi32>], vector<16xf32>,
      %broadcast_in_dim3A_111 = arith.constant 1 : i32
      %broadcast_in_dim3A_112 = vector.broadcast %broadcast_in_dim3A_111 : i32 to vector<16xi32>
      tpu.vector_store_idx %arg6[%add3A_25, %broadcast_in_dim3A_112], %scan3A_33#25 : memref<192x8xi32, #tpu.memory_space<vmem>>[vector<16xi32>, vector<16xi32>], vector<16xi32>,
      %mul3A_113 = arith.mulf %exp3A_85, %div3A_107 : vector<16xf32>
      tpu.vector_store_idx %arg7[%add3A_25, %broadcast_in_dim3A_112], %mul3A_113 : memref<192x8xf32, #tpu.memory_space<vmem>>[vector<16xi32>, vector<16xi32>], vector<16xf32>,
      %broadcast_in_dim3A_114 = arith.constant 2 : i32
      %broadcast_in_dim3A_115 = vector.broadcast %broadcast_in_dim3A_114 : i32 to vector<16xi32>
      tpu.vector_store_idx %arg6[%add3A_25, %broadcast_in_dim3A_115], %scan3A_33#26 : memref<192x8xi32, #tpu.memory_space<vmem>>[vector<16xi32>, vector<16xi32>], vector<16xi32>,
      %mul3A_116 = arith.mulf %exp3A_87, %div3A_107 : vector<16xf32>
      tpu.vector_store_idx %arg7[%add3A_25, %broadcast_in_dim3A_115], %mul3A_116 : memref<192x8xf32, #tpu.memory_space<vmem>>[vector<16xi32>, vector<16xi32>], vector<16xf32>,
      %broadcast_in_dim3A_117 = arith.constant 3 : i32
      %broadcast_in_dim3A_118 = vector.broadcast %broadcast_in_dim3A_117 : i32 to vector<16xi32>
      tpu.vector_store_idx %arg6[%add3A_25, %broadcast_in_dim3A_118], %scan3A_33#27 : memref<192x8xi32, #tpu.memory_space<vmem>>[vector<16xi32>, vector<16xi32>], vector<16xi32>,
      %mul3A_119 = arith.mulf %exp3A_89, %div3A_107 : vector<16xf32>
      tpu.vector_store_idx %arg7[%add3A_25, %broadcast_in_dim3A_118], %mul3A_119 : memref<192x8xf32, #tpu.memory_space<vmem>>[vector<16xi32>, vector<16xi32>], vector<16xf32>,
      %broadcast_in_dim3A_120 = arith.constant 4 : i32
      %broadcast_in_dim3A_121 = vector.broadcast %broadcast_in_dim3A_120 : i32 to vector<16xi32>
      tpu.vector_store_idx %arg6[%add3A_25, %broadcast_in_dim3A_121], %scan3A_33#28 : memref<192x8xi32, #tpu.memory_space<vmem>>[vector<16xi32>, vector<16xi32>], vector<16xi32>,
      %mul3A_122 = arith.mulf %exp3A_91, %div3A_107 : vector<16xf32>
      tpu.vector_store_idx %arg7[%add3A_25, %broadcast_in_dim3A_121], %mul3A_122 : memref<192x8xf32, #tpu.memory_space<vmem>>[vector<16xi32>, vector<16xi32>], vector<16xf32>,
      %broadcast_in_dim3A_123 = arith.constant 5 : i32
      %broadcast_in_dim3A_124 = vector.broadcast %broadcast_in_dim3A_123 : i32 to vector<16xi32>
      tpu.vector_store_idx %arg6[%add3A_25, %broadcast_in_dim3A_124], %scan3A_33#29 : memref<192x8xi32, #tpu.memory_space<vmem>>[vector<16xi32>, vector<16xi32>], vector<16xi32>,
      %mul3A_125 = arith.mulf %exp3A_93, %div3A_107 : vector<16xf32>
      tpu.vector_store_idx %arg7[%add3A_25, %broadcast_in_dim3A_124], %mul3A_125 : memref<192x8xf32, #tpu.memory_space<vmem>>[vector<16xi32>, vector<16xi32>], vector<16xf32>,
      %broadcast_in_dim3A_126 = arith.constant 6 : i32
      %broadcast_in_dim3A_127 = vector.broadcast %broadcast_in_dim3A_126 : i32 to vector<16xi32>
      tpu.vector_store_idx %arg6[%add3A_25, %broadcast_in_dim3A_127], %scan3A_33#30 : memref<192x8xi32, #tpu.memory_space<vmem>>[vector<16xi32>, vector<16xi32>], vector<16xi32>,
      %mul3A_128 = arith.mulf %exp3A_95, %div3A_107 : vector<16xf32>
      tpu.vector_store_idx %arg7[%add3A_25, %broadcast_in_dim3A_127], %mul3A_128 : memref<192x8xf32, #tpu.memory_space<vmem>>[vector<16xi32>, vector<16xi32>], vector<16xf32>,
      %broadcast_in_dim3A_129 = arith.constant 7 : i32
      %broadcast_in_dim3A_130 = vector.broadcast %broadcast_in_dim3A_129 : i32 to vector<16xi32>
      tpu.vector_store_idx %arg6[%add3A_25, %broadcast_in_dim3A_130], %scan3A_33#31 : memref<192x8xi32, #tpu.memory_space<vmem>>[vector<16xi32>, vector<16xi32>], vector<16xi32>,
      %mul3A_131 = arith.mulf %exp3A_97, %div3A_107 : vector<16xf32>
      tpu.vector_store_idx %arg7[%add3A_25, %broadcast_in_dim3A_130], %mul3A_131 : memref<192x8xf32, #tpu.memory_space<vmem>>[vector<16xi32>, vector<16xi32>], vector<16xf32>,
    }
    %scan3A_6 = arith.constant 6 : i32
    %mul3A_7 = arith.constant 192 : i32
    %mul3A_8 = arith.muli %add3A, %mul3A_7 : i32
    "tpu.region"() ({
      %run_scoped3A = tpu.sem_alloc : memref<!tpu.dma_semaphore, #tpu.memory_space<semaphore_mem>>
      %dma_start3A = arith.constant 0 : i32
      %dma_start3A_11 = tpu.memref_slice %arg3[%mul3A_8, %dma_start3A] : memref<6144x8xi32, #tpu.memory_space<hbm>> -> memref<192x8xi32, #tpu.memory_space<hbm>>
      %dma_start3A_12 = arith.constant 0 : i32
      %dma_start3A_13 = tpu.memref_slice %arg3[%mul3A_8, %dma_start3A_12] : memref<6144x8xi32, #tpu.memory_space<hbm>> -> memref<192x8xi32, #tpu.memory_space<hbm>>
      tpu.enqueue_dma source(%arg6 : memref<192x8xi32, #tpu.memory_space<vmem>>) target(%dma_start3A_13 : memref<192x8xi32, #tpu.memory_space<hbm>>) target_semaphore(%run_scoped3A : memref<!tpu.dma_semaphore, #tpu.memory_space<semaphore_mem>>)
      %dma_wait3A = arith.constant 0 : i32
      %dma_wait3A_14 = tpu.memref_slice %arg3[%mul3A_8, %dma_wait3A] : memref<6144x8xi32, #tpu.memory_space<hbm>> -> memref<192x8xi32, #tpu.memory_space<hbm>>
      %dma_wait3A_15 = arith.constant 0 : i32
      %dma_wait3A_16 = tpu.memref_slice %arg3[%mul3A_8, %dma_wait3A_15] : memref<6144x8xi32, #tpu.memory_space<hbm>> -> memref<192x8xi32, #tpu.memory_space<hbm>>
      tpu.wait_dma2 semaphore(%run_scoped3A : memref<!tpu.dma_semaphore, #tpu.memory_space<semaphore_mem>>) src(%arg6 : memref<192x8xi32, #tpu.memory_space<vmem>>) dst(%dma_wait3A_16 : memref<192x8xi32, #tpu.memory_space<hbm>>)
      tpu.yield
    }) : () -> ()
    %mul3A_9 = arith.constant 192 : i32
    %mul3A_10 = arith.muli %add3A, %mul3A_9 : i32
    "tpu.region"() ({
      %run_scoped3A = tpu.sem_alloc : memref<!tpu.dma_semaphore, #tpu.memory_space<semaphore_mem>>
      %dma_start3A = arith.constant 0 : i32
      %dma_start3A_11 = tpu.memref_slice %arg4[%mul3A_10, %dma_start3A] : memref<6144x8xf32, #tpu.memory_space<hbm>> -> memref<192x8xf32, #tpu.memory_space<hbm>>
      %dma_start3A_12 = arith.constant 0 : i32
      %dma_start3A_13 = tpu.memref_slice %arg4[%mul3A_10, %dma_start3A_12] : memref<6144x8xf32, #tpu.memory_space<hbm>> -> memref<192x8xf32, #tpu.memory_space<hbm>>
      tpu.enqueue_dma source(%arg7 : memref<192x8xf32, #tpu.memory_space<vmem>>) target(%dma_start3A_13 : memref<192x8xf32, #tpu.memory_space<hbm>>) target_semaphore(%run_scoped3A : memref<!tpu.dma_semaphore, #tpu.memory_space<semaphore_mem>>)
      %dma_wait3A = arith.constant 0 : i32
      %dma_wait3A_14 = tpu.memref_slice %arg4[%mul3A_10, %dma_wait3A] : memref<6144x8xf32, #tpu.memory_space<hbm>> -> memref<192x8xf32, #tpu.memory_space<hbm>>
      %dma_wait3A_15 = arith.constant 0 : i32
      %dma_wait3A_16 = tpu.memref_slice %arg4[%mul3A_10, %dma_wait3A_15] : memref<6144x8xf32, #tpu.memory_space<hbm>> -> memref<192x8xf32, #tpu.memory_space<hbm>>
      tpu.wait_dma2 semaphore(%run_scoped3A : memref<!tpu.dma_semaphore, #tpu.memory_space<semaphore_mem>>) src(%arg7 : memref<192x8xf32, #tpu.memory_space<vmem>>) dst(%dma_wait3A_16 : memref<192x8xf32, #tpu.memory_space<hbm>>)
      tpu.yield
    }) : () -> ()
    return
  }
}

module attributes {stable_mosaic.version = 14 : i64} {
  func.func @_gate_body(%arg0: i32, %arg1: memref<512x4096xf32, #tpu.memory_space<vmem>>, %arg2: memref<4096x64xf32, #tpu.memory_space<vmem>>, %arg3: memref<64x64xf32, #tpu.memory_space<vmem>>, %arg4: memref<512x64xf32, #tpu.memory_space<vmem>>) attributes {dimension_semantics = [#tpu.dimension_semantics<arbitrary>], iteration_bounds = array<i64: 12>, scalar_prefetch = 0 : i64, scratch_operands = 0 : i64, tpu.core_type = #tpu.core_type<tc>, window_params = [{transform_indices = @transform_0, window_bounds = array<i64: 512, 4096>}, {pipeline_mode = #tpu.pipeline_mode<synchronous>, transform_indices = @transform_1, window_bounds = array<i64: 4096, 64>}, {pipeline_mode = #tpu.pipeline_mode<synchronous>, transform_indices = @transform_2, window_bounds = array<i64: 64, 64>}, {transform_indices = @transform_3, window_bounds = array<i64: 512, 64>}]} {
    %get3A = arith.constant 0 : index
    %get3A_0 = arith.constant 0 : index
    %get3A_1 = vector.load %arg1[%get3A, %get3A_0] : memref<512x4096xf32, #tpu.memory_space<vmem>>, vector<512x4096xf32>
    %get3A_2 = arith.constant 0 : index
    %get3A_3 = arith.constant 0 : index
    %get3A_4 = vector.load %arg2[%get3A_2, %get3A_3] : memref<4096x64xf32, #tpu.memory_space<vmem>>, vector<4096x64xf32>
    %dot_general3A = arith.constant dense<0.000000e+00> : vector<512x64xf32>
    %dot_general3A_5 = tpu.matmul %get3A_1, %get3A_4, %dot_general3A {dimension_numbers = #tpu.dot_dimension_numbers<[1], [0], [0], [1], [0, 0, 1, 1], [], []>, transpose_lhs_hint = false} : vector<512x4096xf32>, vector<4096x64xf32>, vector<512x64xf32> -> vector<512x64xf32>
    %tanh3A = math.tanh %dot_general3A_5 : vector<512x64xf32>
    %get3A_6 = arith.constant 0 : index
    %get3A_7 = arith.constant 0 : index
    %get3A_8 = vector.load %arg3[%get3A_6, %get3A_7] : memref<64x64xf32, #tpu.memory_space<vmem>>, vector<64x64xf32>
    %dot_general3A_9 = arith.constant dense<0.000000e+00> : vector<512x64xf32>
    %dot_general3A_10 = tpu.matmul %tanh3A, %get3A_8, %dot_general3A_9 {dimension_numbers = #tpu.dot_dimension_numbers<[1], [0], [0], [1], [0, 0, 1, 1], [], []>, transpose_lhs_hint = false} : vector<512x64xf32>, vector<64x64xf32>, vector<512x64xf32> -> vector<512x64xf32>
    %swap3A = arith.constant 0 : index
    %swap3A_11 = arith.constant 0 : index
    %swap3A_12 = vector.load %arg4[%swap3A, %swap3A_11] : memref<512x64xf32, #tpu.memory_space<vmem>>, vector<512x64xf32>
    tpu.vector_store %arg4[%swap3A, %swap3A_11], %dot_general3A_10 {strides = array<i32>} : memref<512x64xf32, #tpu.memory_space<vmem>>, vector<512x64xf32>,
    return
  }
  func.func @transform_0(%arg0: i32) -> (i32, i32) {
    %c0_i32 = arith.constant 0 : i32
    %c0_i32_0 = arith.constant 0 : i32
    return %arg0, %c0_i32 : i32, i32
  }
  func.func @transform_1(%arg0: i32) -> (i32, i32) {
    %c0_i32 = arith.constant 0 : i32
    %c0_i32_0 = arith.constant 0 : i32
    %c0_i32_1 = arith.constant 0 : i32
    return %c0_i32, %c0_i32_0 : i32, i32
  }
  func.func @transform_2(%arg0: i32) -> (i32, i32) {
    %c0_i32 = arith.constant 0 : i32
    %c0_i32_0 = arith.constant 0 : i32
    %c0_i32_1 = arith.constant 0 : i32
    return %c0_i32, %c0_i32_0 : i32, i32
  }
  func.func @transform_3(%arg0: i32) -> (i32, i32) {
    %c0_i32 = arith.constant 0 : i32
    %c0_i32_0 = arith.constant 0 : i32
    return %arg0, %c0_i32 : i32, i32
  }
}

module attributes {stable_mosaic.version = 14 : i64} {
  func.func @_gate_topk_body(%arg0: i32, %arg1: memref<512x4096xf32, #tpu.memory_space<vmem>>, %arg2: memref<4096x64xf32, #tpu.memory_space<vmem>>, %arg3: memref<64x64xf32, #tpu.memory_space<vmem>>, %arg4: memref<512x8xi32, #tpu.memory_space<vmem>>, %arg5: memref<512x8xf32, #tpu.memory_space<vmem>>) attributes {dimension_semantics = [#tpu.dimension_semantics<arbitrary>], iteration_bounds = array<i64: 4>, scalar_prefetch = 0 : i64, scratch_operands = 0 : i64, tpu.core_type = #tpu.core_type<tc>, window_params = [{transform_indices = @transform_0, window_bounds = array<i64: 512, 4096>}, {pipeline_mode = #tpu.pipeline_mode<synchronous>, transform_indices = @transform_1, window_bounds = array<i64: 4096, 64>}, {pipeline_mode = #tpu.pipeline_mode<synchronous>, transform_indices = @transform_2, window_bounds = array<i64: 64, 64>}, {transform_indices = @transform_3, window_bounds = array<i64: 512, 8>}, {transform_indices = @transform_4, window_bounds = array<i64: 512, 8>}]} {
    %get3A = arith.constant 0 : index
    %get3A_0 = arith.constant 0 : index
    %get3A_1 = vector.load %arg1[%get3A, %get3A_0] : memref<512x4096xf32, #tpu.memory_space<vmem>>, vector<512x4096xf32>
    %get3A_2 = arith.constant 0 : index
    %get3A_3 = arith.constant 0 : index
    %get3A_4 = vector.load %arg2[%get3A_2, %get3A_3] : memref<4096x64xf32, #tpu.memory_space<vmem>>, vector<4096x64xf32>
    %dot_general3A = arith.constant dense<0.000000e+00> : vector<512x64xf32>
    %dot_general3A_5 = tpu.matmul %get3A_1, %get3A_4, %dot_general3A {dimension_numbers = #tpu.dot_dimension_numbers<[1], [0], [0], [1], [0, 0, 1, 1], [], []>, transpose_lhs_hint = false} : vector<512x4096xf32>, vector<4096x64xf32>, vector<512x64xf32> -> vector<512x64xf32>
    %tanh3A = math.tanh %dot_general3A_5 : vector<512x64xf32>
    %get3A_6 = arith.constant 0 : index
    %get3A_7 = arith.constant 0 : index
    %get3A_8 = vector.load %arg3[%get3A_6, %get3A_7] : memref<64x64xf32, #tpu.memory_space<vmem>>, vector<64x64xf32>
    %dot_general3A_9 = arith.constant dense<0.000000e+00> : vector<512x64xf32>
    %dot_general3A_10 = tpu.matmul %tanh3A, %get3A_8, %dot_general3A_9 {dimension_numbers = #tpu.dot_dimension_numbers<[1], [0], [0], [1], [0, 0, 1, 1], [], []>, transpose_lhs_hint = false} : vector<512x64xf32>, vector<64x64xf32>, vector<512x64xf32> -> vector<512x64xf32>
    %iota3A = tpu.iota {dimensions = array<i32: 1>} : vector<512x64xi32>
    %reduce_max3A = arith.constant dense<0xFF800000> : vector<512xf32>
    %reduce_max3A_11 = vector.multi_reduction <maximumf>, %dot_general3A_10, %reduce_max3A [1] : vector<512x64xf32> to vector<512xf32>
    %broadcast_in_dim3A = vector.shape_cast %reduce_max3A_11 : vector<512xf32> to vector<512x1xf32>
    %eq3A = vector.broadcast %broadcast_in_dim3A : vector<512x1xf32> to vector<512x64xf32>
    %eq3A_12 = arith.cmpf oeq, %dot_general3A_10, %eq3A : vector<512x64xf32>
    %jit3A = arith.constant 64 : i32
    %broadcast_in_dim3A_13 = vector.broadcast %jit3A : i32 to vector<512x64xi32>
    %select_n3A = arith.select %eq3A_12, %iota3A, %broadcast_in_dim3A_13 : vector<512x64xi1>, vector<512x64xi32>
    %reduce_min3A = arith.constant dense<2147483647> : vector<512xi32>
    %reduce_min3A_14 = vector.multi_reduction <minsi>, %select_n3A, %reduce_min3A [1] : vector<512x64xi32> to vector<512xi32>
    %broadcast_in_dim3A_15 = vector.shape_cast %reduce_min3A_14 : vector<512xi32> to vector<512x1xi32>
    %eq3A_16 = vector.broadcast %broadcast_in_dim3A_15 : vector<512x1xi32> to vector<512x64xi32>
    %eq3A_17 = arith.cmpi eq, %iota3A, %eq3A_16 : vector<512x64xi32>
    %jit3A_18 = arith.constant 0xFF800000 : f32
    %broadcast_in_dim3A_19 = vector.broadcast %jit3A_18 : f32 to vector<512x64xf32>
    %select_n3A_20 = arith.select %eq3A_17, %broadcast_in_dim3A_19, %dot_general3A_10 : vector<512x64xi1>, vector<512x64xf32>
    %reduce_max3A_21 = arith.constant dense<0xFF800000> : vector<512xf32>
    %reduce_max3A_22 = vector.multi_reduction <maximumf>, %select_n3A_20, %reduce_max3A_21 [1] : vector<512x64xf32> to vector<512xf32>
    %broadcast_in_dim3A_23 = vector.shape_cast %reduce_max3A_22 : vector<512xf32> to vector<512x1xf32>
    %eq3A_24 = vector.broadcast %broadcast_in_dim3A_23 : vector<512x1xf32> to vector<512x64xf32>
    %eq3A_25 = arith.cmpf oeq, %select_n3A_20, %eq3A_24 : vector<512x64xf32>
    %jit3A_26 = arith.constant 64 : i32
    %broadcast_in_dim3A_27 = vector.broadcast %jit3A_26 : i32 to vector<512x64xi32>
    %select_n3A_28 = arith.select %eq3A_25, %iota3A, %broadcast_in_dim3A_27 : vector<512x64xi1>, vector<512x64xi32>
    %reduce_min3A_29 = arith.constant dense<2147483647> : vector<512xi32>
    %reduce_min3A_30 = vector.multi_reduction <minsi>, %select_n3A_28, %reduce_min3A_29 [1] : vector<512x64xi32> to vector<512xi32>
    %broadcast_in_dim3A_31 = vector.shape_cast %reduce_min3A_30 : vector<512xi32> to vector<512x1xi32>
    %eq3A_32 = vector.broadcast %broadcast_in_dim3A_31 : vector<512x1xi32> to vector<512x64xi32>
    %eq3A_33 = arith.cmpi eq, %iota3A, %eq3A_32 : vector<512x64xi32>
    %jit3A_34 = arith.constant 0xFF800000 : f32
    %broadcast_in_dim3A_35 = vector.broadcast %jit3A_34 : f32 to vector<512x64xf32>
    %select_n3A_36 = arith.select %eq3A_33, %broadcast_in_dim3A_35, %select_n3A_20 : vector<512x64xi1>, vector<512x64xf32>
    %reduce_max3A_37 = arith.constant dense<0xFF800000> : vector<512xf32>
    %reduce_max3A_38 = vector.multi_reduction <maximumf>, %select_n3A_36, %reduce_max3A_37 [1] : vector<512x64xf32> to vector<512xf32>
    %broadcast_in_dim3A_39 = vector.shape_cast %reduce_max3A_38 : vector<512xf32> to vector<512x1xf32>
    %eq3A_40 = vector.broadcast %broadcast_in_dim3A_39 : vector<512x1xf32> to vector<512x64xf32>
    %eq3A_41 = arith.cmpf oeq, %select_n3A_36, %eq3A_40 : vector<512x64xf32>
    %jit3A_42 = arith.constant 64 : i32
    %broadcast_in_dim3A_43 = vector.broadcast %jit3A_42 : i32 to vector<512x64xi32>
    %select_n3A_44 = arith.select %eq3A_41, %iota3A, %broadcast_in_dim3A_43 : vector<512x64xi1>, vector<512x64xi32>
    %reduce_min3A_45 = arith.constant dense<2147483647> : vector<512xi32>
    %reduce_min3A_46 = vector.multi_reduction <minsi>, %select_n3A_44, %reduce_min3A_45 [1] : vector<512x64xi32> to vector<512xi32>
    %broadcast_in_dim3A_47 = vector.shape_cast %reduce_min3A_46 : vector<512xi32> to vector<512x1xi32>
    %eq3A_48 = vector.broadcast %broadcast_in_dim3A_47 : vector<512x1xi32> to vector<512x64xi32>
    %eq3A_49 = arith.cmpi eq, %iota3A, %eq3A_48 : vector<512x64xi32>
    %jit3A_50 = arith.constant 0xFF800000 : f32
    %broadcast_in_dim3A_51 = vector.broadcast %jit3A_50 : f32 to vector<512x64xf32>
    %select_n3A_52 = arith.select %eq3A_49, %broadcast_in_dim3A_51, %select_n3A_36 : vector<512x64xi1>, vector<512x64xf32>
    %reduce_max3A_53 = arith.constant dense<0xFF800000> : vector<512xf32>
    %reduce_max3A_54 = vector.multi_reduction <maximumf>, %select_n3A_52, %reduce_max3A_53 [1] : vector<512x64xf32> to vector<512xf32>
    %broadcast_in_dim3A_55 = vector.shape_cast %reduce_max3A_54 : vector<512xf32> to vector<512x1xf32>
    %eq3A_56 = vector.broadcast %broadcast_in_dim3A_55 : vector<512x1xf32> to vector<512x64xf32>
    %eq3A_57 = arith.cmpf oeq, %select_n3A_52, %eq3A_56 : vector<512x64xf32>
    %jit3A_58 = arith.constant 64 : i32
    %broadcast_in_dim3A_59 = vector.broadcast %jit3A_58 : i32 to vector<512x64xi32>
    %select_n3A_60 = arith.select %eq3A_57, %iota3A, %broadcast_in_dim3A_59 : vector<512x64xi1>, vector<512x64xi32>
    %reduce_min3A_61 = arith.constant dense<2147483647> : vector<512xi32>
    %reduce_min3A_62 = vector.multi_reduction <minsi>, %select_n3A_60, %reduce_min3A_61 [1] : vector<512x64xi32> to vector<512xi32>
    %broadcast_in_dim3A_63 = vector.shape_cast %reduce_min3A_62 : vector<512xi32> to vector<512x1xi32>
    %eq3A_64 = vector.broadcast %broadcast_in_dim3A_63 : vector<512x1xi32> to vector<512x64xi32>
    %eq3A_65 = arith.cmpi eq, %iota3A, %eq3A_64 : vector<512x64xi32>
    %jit3A_66 = arith.constant 0xFF800000 : f32
    %broadcast_in_dim3A_67 = vector.broadcast %jit3A_66 : f32 to vector<512x64xf32>
    %select_n3A_68 = arith.select %eq3A_65, %broadcast_in_dim3A_67, %select_n3A_52 : vector<512x64xi1>, vector<512x64xf32>
    %reduce_max3A_69 = arith.constant dense<0xFF800000> : vector<512xf32>
    %reduce_max3A_70 = vector.multi_reduction <maximumf>, %select_n3A_68, %reduce_max3A_69 [1] : vector<512x64xf32> to vector<512xf32>
    %broadcast_in_dim3A_71 = vector.shape_cast %reduce_max3A_70 : vector<512xf32> to vector<512x1xf32>
    %eq3A_72 = vector.broadcast %broadcast_in_dim3A_71 : vector<512x1xf32> to vector<512x64xf32>
    %eq3A_73 = arith.cmpf oeq, %select_n3A_68, %eq3A_72 : vector<512x64xf32>
    %jit3A_74 = arith.constant 64 : i32
    %broadcast_in_dim3A_75 = vector.broadcast %jit3A_74 : i32 to vector<512x64xi32>
    %select_n3A_76 = arith.select %eq3A_73, %iota3A, %broadcast_in_dim3A_75 : vector<512x64xi1>, vector<512x64xi32>
    %reduce_min3A_77 = arith.constant dense<2147483647> : vector<512xi32>
    %reduce_min3A_78 = vector.multi_reduction <minsi>, %select_n3A_76, %reduce_min3A_77 [1] : vector<512x64xi32> to vector<512xi32>
    %broadcast_in_dim3A_79 = vector.shape_cast %reduce_min3A_78 : vector<512xi32> to vector<512x1xi32>
    %eq3A_80 = vector.broadcast %broadcast_in_dim3A_79 : vector<512x1xi32> to vector<512x64xi32>
    %eq3A_81 = arith.cmpi eq, %iota3A, %eq3A_80 : vector<512x64xi32>
    %jit3A_82 = arith.constant 0xFF800000 : f32
    %broadcast_in_dim3A_83 = vector.broadcast %jit3A_82 : f32 to vector<512x64xf32>
    %select_n3A_84 = arith.select %eq3A_81, %broadcast_in_dim3A_83, %select_n3A_68 : vector<512x64xi1>, vector<512x64xf32>
    %reduce_max3A_85 = arith.constant dense<0xFF800000> : vector<512xf32>
    %reduce_max3A_86 = vector.multi_reduction <maximumf>, %select_n3A_84, %reduce_max3A_85 [1] : vector<512x64xf32> to vector<512xf32>
    %broadcast_in_dim3A_87 = vector.shape_cast %reduce_max3A_86 : vector<512xf32> to vector<512x1xf32>
    %eq3A_88 = vector.broadcast %broadcast_in_dim3A_87 : vector<512x1xf32> to vector<512x64xf32>
    %eq3A_89 = arith.cmpf oeq, %select_n3A_84, %eq3A_88 : vector<512x64xf32>
    %jit3A_90 = arith.constant 64 : i32
    %broadcast_in_dim3A_91 = vector.broadcast %jit3A_90 : i32 to vector<512x64xi32>
    %select_n3A_92 = arith.select %eq3A_89, %iota3A, %broadcast_in_dim3A_91 : vector<512x64xi1>, vector<512x64xi32>
    %reduce_min3A_93 = arith.constant dense<2147483647> : vector<512xi32>
    %reduce_min3A_94 = vector.multi_reduction <minsi>, %select_n3A_92, %reduce_min3A_93 [1] : vector<512x64xi32> to vector<512xi32>
    %broadcast_in_dim3A_95 = vector.shape_cast %reduce_min3A_94 : vector<512xi32> to vector<512x1xi32>
    %eq3A_96 = vector.broadcast %broadcast_in_dim3A_95 : vector<512x1xi32> to vector<512x64xi32>
    %eq3A_97 = arith.cmpi eq, %iota3A, %eq3A_96 : vector<512x64xi32>
    %jit3A_98 = arith.constant 0xFF800000 : f32
    %broadcast_in_dim3A_99 = vector.broadcast %jit3A_98 : f32 to vector<512x64xf32>
    %select_n3A_100 = arith.select %eq3A_97, %broadcast_in_dim3A_99, %select_n3A_84 : vector<512x64xi1>, vector<512x64xf32>
    %reduce_max3A_101 = arith.constant dense<0xFF800000> : vector<512xf32>
    %reduce_max3A_102 = vector.multi_reduction <maximumf>, %select_n3A_100, %reduce_max3A_101 [1] : vector<512x64xf32> to vector<512xf32>
    %broadcast_in_dim3A_103 = vector.shape_cast %reduce_max3A_102 : vector<512xf32> to vector<512x1xf32>
    %eq3A_104 = vector.broadcast %broadcast_in_dim3A_103 : vector<512x1xf32> to vector<512x64xf32>
    %eq3A_105 = arith.cmpf oeq, %select_n3A_100, %eq3A_104 : vector<512x64xf32>
    %jit3A_106 = arith.constant 64 : i32
    %broadcast_in_dim3A_107 = vector.broadcast %jit3A_106 : i32 to vector<512x64xi32>
    %select_n3A_108 = arith.select %eq3A_105, %iota3A, %broadcast_in_dim3A_107 : vector<512x64xi1>, vector<512x64xi32>
    %reduce_min3A_109 = arith.constant dense<2147483647> : vector<512xi32>
    %reduce_min3A_110 = vector.multi_reduction <minsi>, %select_n3A_108, %reduce_min3A_109 [1] : vector<512x64xi32> to vector<512xi32>
    %broadcast_in_dim3A_111 = vector.shape_cast %reduce_min3A_110 : vector<512xi32> to vector<512x1xi32>
    %eq3A_112 = vector.broadcast %broadcast_in_dim3A_111 : vector<512x1xi32> to vector<512x64xi32>
    %eq3A_113 = arith.cmpi eq, %iota3A, %eq3A_112 : vector<512x64xi32>
    %jit3A_114 = arith.constant 0xFF800000 : f32
    %broadcast_in_dim3A_115 = vector.broadcast %jit3A_114 : f32 to vector<512x64xf32>
    %select_n3A_116 = arith.select %eq3A_113, %broadcast_in_dim3A_115, %select_n3A_100 : vector<512x64xi1>, vector<512x64xf32>
    %reduce_max3A_117 = arith.constant dense<0xFF800000> : vector<512xf32>
    %reduce_max3A_118 = vector.multi_reduction <maximumf>, %select_n3A_116, %reduce_max3A_117 [1] : vector<512x64xf32> to vector<512xf32>
    %broadcast_in_dim3A_119 = vector.shape_cast %reduce_max3A_118 : vector<512xf32> to vector<512x1xf32>
    %eq3A_120 = vector.broadcast %broadcast_in_dim3A_119 : vector<512x1xf32> to vector<512x64xf32>
    %eq3A_121 = arith.cmpf oeq, %select_n3A_116, %eq3A_120 : vector<512x64xf32>
    %jit3A_122 = arith.constant 64 : i32
    %broadcast_in_dim3A_123 = vector.broadcast %jit3A_122 : i32 to vector<512x64xi32>
    %select_n3A_124 = arith.select %eq3A_121, %iota3A, %broadcast_in_dim3A_123 : vector<512x64xi1>, vector<512x64xi32>
    %reduce_min3A_125 = arith.constant dense<2147483647> : vector<512xi32>
    %reduce_min3A_126 = vector.multi_reduction <minsi>, %select_n3A_124, %reduce_min3A_125 [1] : vector<512x64xi32> to vector<512xi32>
    %broadcast_in_dim3A_127 = vector.shape_cast %reduce_min3A_126 : vector<512xi32> to vector<512x1xi32>
    %sub3A = arith.subf %broadcast_in_dim3A, %broadcast_in_dim3A : vector<512x1xf32>
    %exp3A = math.exp %sub3A : vector<512x1xf32>
    %sub3A_128 = arith.subf %broadcast_in_dim3A_23, %broadcast_in_dim3A : vector<512x1xf32>
    %exp3A_129 = math.exp %sub3A_128 : vector<512x1xf32>
    %sub3A_130 = arith.subf %broadcast_in_dim3A_39, %broadcast_in_dim3A : vector<512x1xf32>
    %exp3A_131 = math.exp %sub3A_130 : vector<512x1xf32>
    %sub3A_132 = arith.subf %broadcast_in_dim3A_55, %broadcast_in_dim3A : vector<512x1xf32>
    %exp3A_133 = math.exp %sub3A_132 : vector<512x1xf32>
    %sub3A_134 = arith.subf %broadcast_in_dim3A_71, %broadcast_in_dim3A : vector<512x1xf32>
    %exp3A_135 = math.exp %sub3A_134 : vector<512x1xf32>
    %sub3A_136 = arith.subf %broadcast_in_dim3A_87, %broadcast_in_dim3A : vector<512x1xf32>
    %exp3A_137 = math.exp %sub3A_136 : vector<512x1xf32>
    %sub3A_138 = arith.subf %broadcast_in_dim3A_103, %broadcast_in_dim3A : vector<512x1xf32>
    %exp3A_139 = math.exp %sub3A_138 : vector<512x1xf32>
    %sub3A_140 = arith.subf %broadcast_in_dim3A_119, %broadcast_in_dim3A : vector<512x1xf32>
    %exp3A_141 = math.exp %sub3A_140 : vector<512x1xf32>
    %add3A = arith.addf %exp3A, %exp3A_129 : vector<512x1xf32>
    %add3A_142 = arith.addf %add3A, %exp3A_131 : vector<512x1xf32>
    %add3A_143 = arith.addf %add3A_142, %exp3A_133 : vector<512x1xf32>
    %add3A_144 = arith.addf %add3A_143, %exp3A_135 : vector<512x1xf32>
    %add3A_145 = arith.addf %add3A_144, %exp3A_137 : vector<512x1xf32>
    %add3A_146 = arith.addf %add3A_145, %exp3A_139 : vector<512x1xf32>
    %add3A_147 = arith.addf %add3A_146, %exp3A_141 : vector<512x1xf32>
    %div3A = arith.constant 1.000000e+00 : f32
    %div3A_148 = vector.broadcast %div3A : f32 to vector<512x1xf32>
    %div3A_149 = arith.divf %div3A_148, %add3A_147 : vector<512x1xf32>
    %concatenate3A = tpu.concatenate %broadcast_in_dim3A_15, %broadcast_in_dim3A_31, %broadcast_in_dim3A_47, %broadcast_in_dim3A_63, %broadcast_in_dim3A_79, %broadcast_in_dim3A_95, %broadcast_in_dim3A_111, %broadcast_in_dim3A_127 in 1 : vector<512x1xi32>, vector<512x1xi32>, vector<512x1xi32>, vector<512x1xi32>, vector<512x1xi32>, vector<512x1xi32>, vector<512x1xi32>, vector<512x1xi32> -> vector<512x8xi32>
    %swap3A = arith.constant 0 : index
    %swap3A_150 = arith.constant 0 : index
    %swap3A_151 = vector.load %arg4[%swap3A, %swap3A_150] : memref<512x8xi32, #tpu.memory_space<vmem>>, vector<512x8xi32>
    tpu.vector_store %arg4[%swap3A, %swap3A_150], %concatenate3A {strides = array<i32>} : memref<512x8xi32, #tpu.memory_space<vmem>>, vector<512x8xi32>,
    %mul3A = arith.mulf %exp3A, %div3A_149 : vector<512x1xf32>
    %mul3A_152 = arith.mulf %exp3A_129, %div3A_149 : vector<512x1xf32>
    %mul3A_153 = arith.mulf %exp3A_131, %div3A_149 : vector<512x1xf32>
    %mul3A_154 = arith.mulf %exp3A_133, %div3A_149 : vector<512x1xf32>
    %mul3A_155 = arith.mulf %exp3A_135, %div3A_149 : vector<512x1xf32>
    %mul3A_156 = arith.mulf %exp3A_137, %div3A_149 : vector<512x1xf32>
    %mul3A_157 = arith.mulf %exp3A_139, %div3A_149 : vector<512x1xf32>
    %mul3A_158 = arith.mulf %exp3A_141, %div3A_149 : vector<512x1xf32>
    %concatenate3A_159 = tpu.concatenate %mul3A, %mul3A_152, %mul3A_153, %mul3A_154, %mul3A_155, %mul3A_156, %mul3A_157, %mul3A_158 in 1 : vector<512x1xf32>, vector<512x1xf32>, vector<512x1xf32>, vector<512x1xf32>, vector<512x1xf32>, vector<512x1xf32>, vector<512x1xf32>, vector<512x1xf32> -> vector<512x8xf32>
    %swap3A_160 = arith.constant 0 : index
    %swap3A_161 = arith.constant 0 : index
    %swap3A_162 = vector.load %arg5[%swap3A_160, %swap3A_161] : memref<512x8xf32, #tpu.memory_space<vmem>>, vector<512x8xf32>
    tpu.vector_store %arg5[%swap3A_160, %swap3A_161], %concatenate3A_159 {strides = array<i32>} : memref<512x8xf32, #tpu.memory_space<vmem>>, vector<512x8xf32>,
    return
  }
  func.func @transform_0(%arg0: i32) -> (i32, i32) {
    %add3A = arith.constant 12 : i32
    %add3A_0 = arith.addi %add3A, %arg0 : i32
    %c0_i32 = arith.constant 0 : i32
    %c0_i32_1 = arith.constant 0 : i32
    return %add3A_0, %c0_i32 : i32, i32
  }
  func.func @transform_1(%arg0: i32) -> (i32, i32) {
    %c0_i32 = arith.constant 0 : i32
    %c0_i32_0 = arith.constant 0 : i32
    %c0_i32_1 = arith.constant 0 : i32
    return %c0_i32, %c0_i32_0 : i32, i32
  }
  func.func @transform_2(%arg0: i32) -> (i32, i32) {
    %c0_i32 = arith.constant 0 : i32
    %c0_i32_0 = arith.constant 0 : i32
    %c0_i32_1 = arith.constant 0 : i32
    return %c0_i32, %c0_i32_0 : i32, i32
  }
  func.func @transform_3(%arg0: i32) -> (i32, i32) {
    %c0_i32 = arith.constant 0 : i32
    %c0_i32_0 = arith.constant 0 : i32
    return %arg0, %c0_i32 : i32, i32
  }
  func.func @transform_4(%arg0: i32) -> (i32, i32) {
    %c0_i32 = arith.constant 0 : i32
    %c0_i32_0 = arith.constant 0 : i32
    return %arg0, %c0_i32 : i32, i32
  }
}

</mosaic_0001>

<sc_bundles>
// kernel: kernel.5.cloned.1.call-start
scs
__scs_entry_jumppad:
0x0: {  	(pc) =	sbr.rel $0x88, $3  }
0x1: {  	(tag) =	ssettag $0x0;
	lr =	simm.s32 $0x1  }
0x2: {  	[smem:$0x3F9E] =	sst lr;
	_ =	strace $0xD0000000  }
0x3: {  	_ = 	snop  }
0x4: {  	_ = 	snop  }
0x5: {  	_ = 	snop  }
0x6: {  	_ = 	snop  }
0x7: {  	_ = 	snop  }
__scs_overlays_trampoline_lowered:
0x8: {  	[smem:$0x3FAD] =	sst s0  }
0x9: {  	[smem:$0x3FAE] =	sst s1  }
0xa: {  	[smem:$0x3FAF] =	sst s2  }
0xb: {  	[smem:$0x3FB0] =	sst s3  }
0xc: {  	[smem:$0x3FB1] =	sst s4  }
0xd: {  	[smem:$0x3FB2] =	sst s5  }
0xe: {  	[smem:$0x3FB3] =	sst s6  }
0xf: {  	[smem:$0x3FB4] =	sst s7  }
0x10: {  	[smem:$0x3FB5] =	sst s8  }
0x11: {  	[smem:$0x3FB6] =	sst s9;
	s0 =	simm.s32 @!p0 $0x0  }
0x12: {  	s1 =	sld [smem:$0x3F9C];
	s0 =	simm.s32 @p0 $0x1  }
0x13: {  	[smem:$0x3FB7] =	sst s0;
	s0 =	simm.s32 @!p1 $0x0  }
0x14: {  	s2 =	sld [smem:$0x3F9B];
	s0 =	simm.s32 @p1 $0x1  }
0x15: {  	[smem:$0x3FB8] =	sst s0;
	s0 =	simm.s32 @!p2 $0x0  }
0x16: {  	s3 =	sld [smem:$0x3FDB];
	s0 =	simm.s32 @p2 $0x1  }
0x17: {  	s4 =	simm.s32 $0x1BF5;
	[smem:$0x3FBA] =	sst s0  }
0x18: {  	s0 =	sld [smem:$0x3F9D];
	_ =	swait.ge [sflag:s4], $0x0  }
0x19: {  	s7 =	sld [smem:$0x3F9E]  }
0x1a: {  	s8 =	sadd.s32 $0xFFFFE003, lr  }
0x1b: {  	s9 =	sadd.s32 $0xFFFFFEF7, lr;
	s5 =	simm.s32 $0xFFFFFFFF;
	p2 =	slt.u32 s8, $0xFFFFF086  }
0x1c: {  	p1 =	slt.u32 s9, $0xF7A;
	s5 =	simm.s32 @!p2 $0x0  }
0x1d: {  	s5 =	simm.s32 @p1 $0x1;
	p0 =	seq.s32 s7, s2  }
0x1e: {  	s7 =	smul.u32 @!p0 $0xF7A, s2;
	p2 =	seq.s32 @!p0 s5, $0x0  }
0x1f: {  	s9 =	smul.u32 $0xF7A, s1;
	s8 =	simm.s32 @!p0 $0x1BF5;
	p2 =	por !p2, p0  }
0x20: {  	[sflag:s8] =	ssyncset.s32 @!p0 $0xFFFFF086;
	s6 =	sadd.s32 @!p0 s3, s7;
	s7 =	simm.s32 @!p0 $0x108  }
0x21: {  	s3 =	sadd.s32 s3, s9;
	s6 =	sadd.s32 @!p0 $0x88, s6;
	s7 =	simm.s32 @p2 $0x1082  }
0x22: {  	[simem:s7], [sflag:s8] =	dma.local @!p0 [hbm:s6], $0xF7A  }
0x23: {  	s9 =	sor.u32 $0xD0000000, s2;
	s6 =	simm.s32 $0x108;
	_ =	swait.ge @!p0 [sflag:s8], $0x0  }
0x24: {  	s3 =	sadd.s32 $0x88, s3;
	s6 =	simm.s32 @!p1 $0x1082;
	[sflag:s4] =	ssyncset.s32 $0xFFFFF086  }
0x25: {  	[simem:s6], [sflag:s4] =	dma.local [hbm:s3], $0xF7A  }
0x26: {  	[smem:$0x3F9E] =	sst s1;
	(tag) =	ssettag s2;
	_ =	strace s9  }
0x27: {  	s1 =	sld [smem:$0x3FAE]  }
0x28: {  	s2 =	sld [smem:$0x3FAF]  }
0x29: {  	s4 =	sld [smem:$0x3FB1]  }
0x2a: {  	p0 =	seq.s32 s5, $0x0;
	s5 =	sld [smem:$0x3FB2]  }
0x2b: {  	s6 =	sld [smem:$0x3FB3]  }
0x2c: {  	s7 =	sld [smem:$0x3FB4]  }
0x2d: {  	s3 =	simm.s32 $0x108;
	s8 =	sld [smem:$0x3FB5]  }
0x2e: {  	s3 =	simm.s32 @!p0 $0x1082;
	s9 =	sld [smem:$0x3FB6]  }
0x2f: {  	lr =	sadd.s32 s0, s3;
	s0 =	sld [smem:$0x3FAD]  }
0x30: {  	s3 =	sld [smem:$0x3FB0]  }
0x31: {  	[smem:$0x3FB9] =	sst s10  }
0x32: {  	s10 =	sld [smem:$0x3FB7];
	_ =	sdelay $0x3  }
0x33: {  	p0 =	seq.s32 s10, $0x1;
	s10 =	sld [smem:$0x3FB9];
	_ =	sdelay $0x3  }
0x34: {  	[smem:$0x3FB9] =	sst s10  }
0x35: {  	s10 =	sld [smem:$0x3FB8];
	_ =	sdelay $0x3  }
0x36: {  	p1 =	seq.s32 s10, $0x1;
	s10 =	sld [smem:$0x3FB9];
	_ =	sdelay $0x3  }
0x37: {  	[smem:$0x3FB9] =	sst s10  }
0x38: {  	s10 =	sld [smem:$0x3FBA]  }
0x39: {  	_ = 	snop;
	(pc) =	sbr.ind lr, $3  }
0x3a: {  	_ = 	snop  }
0x3b: {  	_ = 	snop  }
0x3c: {  	p2 =	seq.s32 s10, $0x1;
	s10 =	sld [smem:$0x3FB9]  }
0x3d: {  	_ =	shalt  }
0x3e: {  	_ =	shalt  }
0x3f: {  	_ =	shalt  }
0x40: {  	_ =	shalt  }
0x41: {  	_ =	shalt  }
0x42: {  	_ =	shalt  }
0x43: {  	_ =	shalt  }
0x44: {  	_ =	shalt  }
0x45: {  	_ =	shalt  }
0x46: {  	_ =	shalt  }
0x47: {  	_ =	shalt  }
0x48: {  	_ =	shalt  }
0x49: {  	_ =	shalt  }
0x4a: {  	_ =	shalt  }
0x4b: {  	_ =	shalt  }
0x4c: {  	_ =	shalt  }
0x4d: {  	_ =	shalt  }
0x4e: {  	_ =	shalt  }
0x4f: {  	_ =	shalt  }
0x50: {  	_ =	shalt  }
0x51: {  	_ =	shalt  }
0x52: {  	_ =	shalt  }
0x53: {  	_ =	shalt  }
0x54: {  	_ =	shalt  }
0x55: {  	_ =	shalt  }
0x56: {  	_ =	shalt  }
0x57: {  	_ =	shalt  }
0x58: {  	_ =	shalt  }
0x59: {  	_ =	shalt  }
0x5a: {  	_ =	shalt  }
0x5b: {  	_ =	shalt  }
0x5c: {  	_ =	shalt  }
0x5d: {  	_ =	shalt  }
0x5e: {  	_ =	shalt  }
0x5f: {  	_ =	shalt  }
0x60: {  	_ =	shalt  }
0x61: {  	_ =	shalt  }
0x62: {  	_ =	shalt  }
0x63: {  	_ =	shalt  }
0x64: {  	_ =	shalt  }
0x65: {  	_ =	shalt  }
0x66: {  	_ =	shalt  }
0x67: {  	_ =	shalt  }
0x68: {  	_ =	shalt  }
0x69: {  	_ =	shalt  }
0x6a: {  	_ =	shalt  }
0x6b: {  	_ =	shalt  }
0x6c: {  	_ =	shalt  }
0x6d: {  	_ =	shalt  }
0x6e: {  	_ =	shalt  }
0x6f: {  	_ =	shalt  }
0x70: {  	_ =	shalt  }
0x71: {  	_ =	shalt  }
0x72: {  	_ =	shalt  }
0x73: {  	_ =	shalt  }
0x74: {  	_ =	shalt  }
0x75: {  	_ =	shalt  }
0x76: {  	_ =	shalt  }
0x77: {  	_ =	shalt  }
0x78: {  	_ =	shalt  }
0x79: {  	_ =	shalt  }
0x7a: {  	_ =	shalt  }
0x7b: {  	_ =	shalt  }
0x7c: {  	_ =	shalt  }
0x7d: {  	_ =	shalt  }
0x7e: {  	_ =	shalt  }
0x7f: {  	_ =	shalt  }
0x80: {  	_ =	shalt  }
0x81: {  	_ =	shalt  }
0x82: {  	_ =	shalt  }
0x83: {  	_ =	shalt  }
0x84: {  	_ =	shalt  }
0x85: {  	_ =	shalt  }
0x86: {  	_ =	shalt  }
0x87: {  	_ =	shalt  }
.Lfunc_end0:
.L_simem_size_0:
called_computation_lowered:
.L_overlay_start_0:
0x88: {  	s2 =	sld [smem:$0x3FD9]  }
0x89: {  	s3 =	sld [smem:$0x3FFE];
	_ =	sdelay $0x1  }
0x8a: {  	s1 =	srdreg.scid  }
0x8b: {  	s0 =	sand.u32 $0x1, s1  }
0x8c: {  	s16 =	sshll.u32 s0, $0xA;
	s2 =	sadd.s32 s3, s2  }
0x8d: {  	s2 =	sadd.s32 s2, s16  }
0x8e: {  	[smem:$0x3FC5] =	sst s2  }
0x8f: {  	_ = 	snop  }
0x90: {  	(tm) =	ssettm $0x1  }
0x91: {  	s17 =	sld [smem:$0x3FFB];
	_ =	sdelay $0x3  }
0x92: {  	_ =	strace s17  }
0x93: {  	s2 =	sld [smem:$0x3FFC];
	_ =	sdelay $0x3  }
0x94: {  	_ =	strace s2  }
0x95: {  	s2 =	sld [smem:$0x3FFD];
	_ =	sdelay $0x3  }
0x96: {  	_ =	strace s2  }
0x97: {  	_ =	strace $0x8FFFFFFF  }
0x98: {  	s18 =	sld [smem:$0x3FDB];
	_ =	sdelay $0x1  }
0x99: {  	s19 =	simm.s32 $_scs_section_size  }
0x9a: {  	s4 =	simm.s32 $_size__tile_overlayer_lowered;
	s5 =	simm.s32 $_tile_overlayer_lowered  }
0x9b: {  	s22 =	simm.s32 $0x1BFF;
	s21 =	sshll.u32 s5, $0x1;
	s2 =	sadd.s32 s19, s18  }
0x9c: {  	s6 =	simm.s32 $0x0;
	s20 =	sshll.u32 s4, $0x1;
	s4 =	sadd.s32 s21, s2  }
0x9d: {  	[timem:s6], [sflag:s22] =	dma.local [hbm:s4], s20  }
0x9e: {  	_ =	swait.ge [sflag:s22], s20  }
0x9f: {  	s3 =	ssub.s32 $0x0, s20;
	[sflag:s22] =	ssyncset.done $0x0  }
0xa0: {  	[sflag:s22] =	ssyncadd.s32 s3;
	_ =	sdelay $0x1  }
0xa1: {  	s23 =	simm.s32 $0x1B8B  }
0xa2: {  	_ =	swait.ge [sflag:s23], $0x1  }
0xa3: {  	[sflag:s23] =	ssyncset.done $0x0  }
0xa4: {  	s25 =	simm.s32 $0x1B8E;
	s24 =	sld [smem:$0x3FFE];
	[sflag:s23] =	ssyncadd.s32 $0xFFFFFFFF  }
0xa5: {  	s26 =	simm.s32 $execute0_lowered;
	[smem:$0x3FD2] =	sst s25  }
0xa6: {  	s4 =	sshll.u32 s26, $0x1;
	_ =	strace $0x80000046;
	[dreg:$0x1] =	wrdreg $0xFFFFFFFF  }
0xa7: {  	s28 =	simm.s32 $_size_execute0_lowered;
	s2 =	sadd.s32 s2, s4;
	[dreg:$0x0] =	wrdreg $0x0  }
0xa8: {  	s4 =	sshll.u32 s28, $0x1;
	[dreg:$0x2] =	wrdreg s2  }
0xa9: {  	[dreg:$0x3] =	wrdreg s4  }
0xaa: {  	[dreg:$0x4] =	wrdreg $0xC0  }
0xab: {  	_ =	task [dreg:s6], $0x5FFFF  }
0xac: {  	[dreg:$0x1] =	wrdreg $0xFFFFFFFF  }
0xad: {  	[dreg:$0x0] =	wrdreg $0x60  }
0xae: {  	[dreg:$0x2] =	wrdreg s24  }
0xaf: {  	[dreg:$0x3] =	wrdreg $0x9  }
0xb0: {  	_ =	task.clear_ibuf [dreg:s6], $0x4FFFF;
	_ =	strace $0x90000046  }
0xb1: {  	s29 =	simm.s32 $0x9;
	_ =	strace $0x80000048  }
0xb2: {  	_ =	swait.ge [sflag:s29], $0x1  }
0xb3: {  	[sflag:s29] =	ssyncadd.s32 $0xFFFFFFFF  }
0xb4: {  	_ =	strace $0x90000048  }
0xb5: {  	_ =	sfence  }
0xb6: {  	s30 =	sld [smem:$0x0];
	_ =	sdelay $0x2  }
0xb7: {  	s31 =	sshll.u32 s1, $0xD;
	s1 =	sshrl.u32 s1, $0x2  }
0xb8: {  	s3 =	sand.u32 $0x4000, s31;
	s1 =	sadd.s32 s1, s30  }
0xb9: {  	s0 =	sor.u32 s3, s0;
	s1 =	sshll.u32 s1, $0x11  }
0xba: {  	s0 =	sor.u32 s1, s0  }
0xbb: {  	s0 =	sadd.s32 $0x8F2B, s0  }
0xbc: {  	[sflag:s0] =	ssyncadd.remote.s32 $0x1  }
0xbd: {  	_ =	sfence.sel $0xFFFF  }
0xbe: {  	[dreg:$0x0] =	wrdreg $0xFFFFFFFF;
	(pc) =	sbr.abs _section_cstart, $3  }
0xbf: {  	[dreg:$0x1] =	wrdreg $0xFFFFFFFF  }
0xc0: {  	_ =	task.clear_ibuf [dreg:s6], $0x2FFFF;
	_ =	strace $0x9FFFFFFF  }
0xc1: {  	(tm) =	ssettm $0x7FFFFFFF  }
tec
execute0_lowered:
.L_overlay_start_1:
0x0: {  	(tag) =	ssettag $0x1  }
0x1: {  	s1 =	srdreg.scid;
	s0 =	stileid.u32  }
0x2: {  	s4 =	rddreg [dreg:$0x0];
	s2 =	simm.s32 $0x0;
	s7 =	simm.s32 $0x1  }
0x3: {  	s8 =	simm.s32 $0x6000;
	s3 =	sand.u32 $0x1, s1;
	s30 =	sshll.u32 s0, $0x1  }
0x4: {  	s9 =	simm.s32 $0xC000;
	s5 =	sor.u32 s3, s30;
	s3 =	ssub.s32 $0x2, s3  }
0x5: {  	s1 =	rddreg [dreg:$0x1];
	s5 =	smul.u32 $0xC00, s5;
	s31 =	sshrl.u32 s3, $0x1  }
0x6: {  	s10 =	simm.s32 $0x0;
	[smem:$0x7FF] =	sst s2;
	s6 =	ssub.s32 s3, s31  }
0x7: {  	v0 =	vlaneseq.u32;
	_ =	strace $0x80000047;
	s5 =	sadd.s32 s5, s4;
	s6 =	smax.u32 s6, $0x1  }
0x8: {  	v0 =	vmul.u32 $0x80, v0;
	s3 =	sadd.s32 $0x1000, s5;
	s4 =	sadd.s32 $0x19000, s5;
	s5 =	sadd.s32 $0x31000, s5  }
.LBB2_1:
0x9: {  	[tilespmem:s2], [sflag:$0x1] =	stream.linear.gather [hbm4b:s3+s2], $0x6000, $0x38;
	[tilespmem:$0x12000] =	vst v63  }
0xa: {  	_ =	swait.ge [sflag:s7], $0x6000  }
0xb: {  	[sflag:s7] =	ssyncset.done $0x0  }
0xc: {  	s11 =	simm.s32 $0x0;
	[sflag:s7] =	ssyncadd.s32 $0xFFFFA000  }
.LBB2_2:
0xd: {  	s12 =	sshll.u32 s11, $0x5  }
0xe: {  	s13 =	sor.u32 $0x10, s12;
	v2 =	vmov s12  }
0xf: {  	v1 =	vmov s13;
	v2 =	vshll.u32 v2, $0x7  }
0x10: {  	v1 =	vshll.u32 v1, $0x7;
	v3 =	vor.u32 v0, v2  }
0x11: {  	v1 =	vor.u32 v0, v1;
	_ =	sdelay $0x3  }
0x12: {  	v6 =	vld.idx.msk [tilespmem:v3+s2+$0x0], $0xffff  }
0x13: {  	v13 =	vimm.f32 $-Inf;
	v5 =	vimm.s32 $0x0;
	v23 =	vimm.s32 $0x0;
	v4 =	vld.idx.msk [tilespmem:v1+s2+$0x0], $0xffff  }
0x14: {  	v31 =	vimm.s32 $0x0;
	v27 =	vimm.s32 $0x0;
	v24 =	vimm.s32 $0x0  }
0x15: {  	v42 =	vimm.f32 $-Inf;
	v30 =	vimm.s32 $0x0;
	v50 =	vimm.f32 $-Inf  }
0x16: {  	v20 =	vimm.s32 $0x0;
	s12 =	simm.s32 $0x0;
	v7 =	vor.u32 $0x1, v3;
	v2 =	vor.u32 $0x1, v1  }
0x17: {  	v38 =	vadd.s32 s12, v7;
	v39 =	vadd.s32 s12, v2;
	v33 =	vmin.f32 v6, v13  }
0x18: {  	v26 =	vmax.f32 v6, v13;
	vm1 =	vgt.f32 v6, v13;
	v12 =	vmax.f32 v4, v13  }
0x19: {  	v8 =	vmin.f32 v4, v13;
	vm0 =	vgt.f32 v4, v13;
	vm3 =	vgt.f32 v33, v13  }
0x1a: {  	v9 =	vmin.f32 v33, v13;
	vm2 =	vgt.f32 v8, v13;
	v18 =	vmax.f32 v8, v13  }
0x1b: {  	v4 =	vmin.f32 v8, v13;
	v14 =	vmin.f32 v9, v13;
	vm7 =	vmor vm1, vm3  }
0x1c: {  	v47 =	vmax.f32 v9, v13;
	vm4 =	vmor vm0, vm2;
	vm5 =	vgt.f32 v4, v13  }
0x1d: {  	v21 =	vmax.f32 v4, v13;
	v32 =	vmin.f32 v4, v13;
	v10 =	vsel vm2, s12, v5  }
0x1e: {  	v4 =	vsel vm0, s12, v5;
	v15 =	vmin.f32 v14, v13;
	v35 =	vmax.f32 v14, v13  }
0x1f: {  	vm8 =	vgt.f32 v14, v13;
	v40 =	vnsel vm7, s12, v5;
	v8 =	vnsel vm4, s12, v5  }
0x20: {  	vm2 =	vgt.f32 v32, v13;
	v6 =	vmin.f32 v32, v13;
	vm4 =	vmor vm4, vm5  }
0x21: {  	v34 =	vmax.f32 v15, v13;
	v16 =	vmin.f32 v15, v13;
	vm10 =	vgt.f32 v15, v13  }
0x22: {  	v15 =	vimm.s32 $0x0;
	vm6 =	vgt.f32 v6, v13;
	v19 =	vmax.f32 v6, v13  }
0x23: {  	v41 =	vmin.f32 v6, v13;
	v6 =	vsel vm4, v8, v5;
	vm2 =	vmor vm4, vm2  }
0x24: {  	v22 =	vsel vm4, v5, v8;
	v14 =	vmin.f32 v16, v13;
	v44 =	vmax.f32 v16, v13  }
0x25: {  	vm11 =	vgt.f32 v16, v13;
	vm5 =	vgt.f32 v41, v13;
	v11 =	vmin.f32 v41, v13  }
0x26: {  	vm9 =	vmor vm2, vm6;
	vm6 =	vgt.f32 v9, v13;
	v8 =	vsel vm2, v5, v22  }
0x27: {  	v36 =	vmax.f32 v14, v13;
	v17 =	vmin.f32 v14, v13;
	vm12 =	vgt.f32 v14, v13  }
0x28: {  	v14 =	vimm.s32 $0x0;
	vm6 =	vmor vm7, vm6;
	v25 =	vmax.f32 v11, v13  }
0x29: {  	vm7 =	vgt.f32 v11, v13;
	v29 =	vsel vm9, v5, v8;
	v8 =	vsel vm9, v8, v5  }
0x2a: {  	v37 =	vmax.f32 v17, v13;
	v11 =	vmin.f32 v11, v13;
	vm5 =	vmor vm9, vm5  }
0x2b: {  	vm4 =	vmor vm6, vm8;
	v43 =	vsel vm6, v5, v40;
	vm8 =	vgt.f32 v17, v13  }
0x2c: {  	v28 =	vmax.f32 v11, v13;
	v45 =	vsel vm5, v5, v29;
	vm9 =	vgt.f32 v11, v13  }
0x2d: {  	vm7 =	vmor vm5, vm7;
	v49 =	vsel vm4, v5, v43;
	vm10 =	vmor vm4, vm10  }
0x2e: {  	v11 =	vimm.s32 $0x0;
	v9 =	vsel vm10, v5, v49;
	vm11 =	vmor vm10, vm11  }
0x2f: {  	v17 =	vimm.s32 $0x0;
	v46 =	vsel vm9, v45, v5;
	v16 =	vsel vm11, v9, v5  }
0x30: {  	s13 =	simm.s32 $0x1;
	v48 =	vsel vm11, v5, v9;
	vm9 =	vmor vm11, vm12;
	v9 =	vimm.s32 $0x0  }
.LBB2_3:
0x31: {  	v51 =	vld.idx.msk [tilespmem:v39+s2+$0x0], $0xffff;
	p0 =	sne.s32 s13, $0x3F;
	v5 =	vsel vm10, v49, v5;
	v46 =	vsel vm7, v9, v46;
	v9 =	vsel vm7, v45, v9;
	s14 =	smov.u32 s13;
	s13 =	sadd.s32 $0x1, s13  }
0x32: {  	v23 =	vsel vm8, v48, v23;
	v13 =	vmax.f32 v41, v13;
	v11 =	vsel vm5, v29, v11;
	v45 =	vld.idx.msk [tilespmem:v38+s2+$0x0], $0xffff  }
0x33: {  	v27 =	vsel vm6, v40, v27;
	v17 =	vsel vm9, v48, v17;
	v40 =	vmovc v12;
	v41 =	vmovc v18;
	v38 =	vsel vm3, s12, v31  }
0x34: {  	v24 =	vsel vm4, v43, v24;
	v42 =	vmax.f32 v32, v42;
	v14 =	vsel vm2, v22, v14;
	v22 =	vmovc v26  }
0x35: {  	v10 =	vsel vm0, v15, v10;
	v15 =	vmovc v4;
	v29 =	vmovc v19;
	v31 =	vsel vm1, v30, v38;
	v30 =	vsel vm1, s12, v30;
	s12 =	smov.u32 s14  }
0x36: {  	v50 =	vmax.f32 v33, v50;
	v43 =	vmovc v6;
	v23 =	vsel vm9, v20, v23;
	v20 =	vmovc v17;
	v39 =	vadd.s32 s12, v2  }
0x37: {  	v48 =	vmovc v35;
	v49 =	vmovc v34;
	v38 =	vadd.s32 s12, v7;
	v12 =	vmax.f32 v51, v12;
	v32 =	vmin.f32 v51, v40  }
0x38: {  	v52 =	vmovc v25;
	v33 =	vmin.f32 v45, v26;
	vm2 =	vgt.f32 v32, v41;
	v18 =	vmax.f32 v32, v18  }
0x39: {  	vm0 =	vgt.f32 v51, v40;
	v51 =	vmovc v36;
	v26 =	vmax.f32 v45, v26;
	v40 =	vmin.f32 v32, v41  }
0x3a: {  	v53 =	vmovc v37;
	vm1 =	vgt.f32 v45, v22;
	v45 =	vmovc v44;
	vm4 =	vmor vm0, vm2;
	vm5 =	vgt.f32 v40, v21  }
0x3b: {  	v54 =	vmovc v28;
	v32 =	vmin.f32 v40, v21;
	v21 =	vmax.f32 v40, v21;
	v22 =	vnsel vm4, s12, v10  }
0x3c: {  	v10 =	vsel vm2, s12, v10;
	vm2 =	vgt.f32 v32, v42;
	v40 =	vmin.f32 v32, v42  }
0x3d: {  	v4 =	vsel vm0, s12, v4;
	vm6 =	vgt.f32 v40, v29;
	v19 =	vmax.f32 v40, v19  }
0x3e: {  	vm3 =	vgt.f32 v33, v50;
	v55 =	vmin.f32 v33, v50;
	v41 =	vmin.f32 v40, v29  }
0x3f: {  	vm4 =	vmor vm4, vm5;
	vm5 =	vgt.f32 v41, v13;
	v56 =	vmin.f32 v41, v13  }
0x40: {  	vm8 =	vmor vm1, vm3;
	v29 =	vmin.f32 v55, v47;
	v6 =	vsel vm4, v22, v6  }
0x41: {  	vm2 =	vmor vm4, vm2;
	v35 =	vmax.f32 v29, v35;
	v57 =	vmin.f32 v29, v48  }
0x42: {  	vm7 =	vmor vm2, vm6;
	v34 =	vmax.f32 v57, v34;
	v58 =	vmin.f32 v57, v49  }
0x43: {  	v22 =	vsel vm4, v43, v22;
	vm6 =	vgt.f32 v55, v47;
	vm9 =	vgt.f32 v29, v48  }
0x44: {  	v40 =	vnsel vm8, s12, v31;
	vm6 =	vmor vm8, vm6;
	v25 =	vmax.f32 v56, v25  }
0x45: {  	v48 =	vsel vm2, v14, v22;
	vm4 =	vmor vm6, vm9;
	vm9 =	vgt.f32 v56, v52  }
0x46: {  	v29 =	vsel vm7, v8, v48;
	v43 =	vsel vm6, v27, v40;
	v59 =	vmin.f32 v58, v44  }
0x47: {  	v8 =	vsel vm7, v48, v8;
	v36 =	vmax.f32 v59, v36;
	v60 =	vmin.f32 v59, v51  }
0x48: {  	v48 =	vmin.f32 v56, v52;
	v44 =	vmax.f32 v58, v44;
	v37 =	vmax.f32 v60, v37  }
0x49: {  	v47 =	vmax.f32 v55, v47;
	v28 =	vmax.f32 v48, v28;
	vm8 =	vgt.f32 v60, v53  }
.Ltmp0:
0x4a: {  	vm10 =	vgt.f32 v57, v49;
	vm11 =	vgt.f32 v58, v45;
	vm12 =	vgt.f32 v59, v51;
	(pc) =	sbr.rel @p0 .LBB2_3-.Ltmp0, $4  }
0x4b: {  	vm5 =	vmor vm7, vm5;
	v49 =	vsel vm4, v24, v43;
	vm10 =	vmor vm4, vm10  }
0x4c: {  	v45 =	vsel vm5, v11, v29;
	vm13 =	vgt.f32 v48, v54;
	v51 =	vsel vm10, v5, v49  }
0x4d: {  	vm7 =	vmor vm5, vm9;
	v46 =	vsel vm13, v45, v46;
	vm11 =	vmor vm10, vm11  }
0x4e: {  	v48 =	vsel vm11, v16, v51;
	v16 =	vsel vm11, v51, v16;
	vm9 =	vmor vm11, vm12  }
0x4f: {  	v33 =	vmax.f32 v33, v50;
	v38 =	vsub.f32 v26, v26  }
0x50: {  	v33 =	vsub.f32 v33, v26  }
0x51: {  	v38 =	vmul.f32 $1.442695020e+00, v38  }
0x52: {  	v39 =	vsub.f32 v47, v26;
	v33 =	vmul.f32 $1.442695020e+00, v33  }
0x53: {  	(erf) = vpow2.f32 v38  }
0x54: {  	v35 =	vsub.f32 v35, v26;
	v53 =	vmul.f32 $1.442695020e+00, v39;
	(erf) = vpow2.f32 v33;
	_ =	sdelay $0x1  }
0x55: {  	v34 =	vsub.f32 v34, v26;
	v54 =	vmul.f32 $1.442695020e+00, v35;
	(erf) = vpow2.f32 v53;
	_ =	sdelay $0x1  }
0x56: {  	v56 =	vsub.f32 v44, v26;
	v55 =	vmul.f32 $1.442695020e+00, v34;
	(erf) = vpow2.f32 v54;
	_ =	sdelay $0x1  }
0x57: {  	v58 =	vsub.f32 v36, v26;
	v57 =	vmul.f32 $1.442695020e+00, v56;
	(erf) = vpow2.f32 v55;
	_ =	sdelay $0x1  }
0x58: {  	v60 =	vsub.f32 v37, v26;
	v59 =	vmul.f32 $1.442695020e+00, v58;
	v35 =	vpop (erf);
	(erf) = vpow2.f32 v57  }
0x59: {  	v34 =	vpop (erf)  }
0x5a: {  	v26 =	vmul.f32 $1.442695020e+00, v60;
	(erf) = vpow2.f32 v59;
	v61 =	vadd.f32 v34, v35  }
0x5b: {  	v36 =	vpop (erf)  }
0x5c: {  	(erf) = vpow2.f32 v26;
	v62 =	vadd.f32 v36, v61  }
0x5d: {  	v33 =	vpop (erf)  }
0x5e: {  	v26 =	vadd.f32 v33, v62  }
0x5f: {  	v37 =	vpop (erf)  }
0x60: {  	v26 =	vadd.f32 v37, v26  }
0x61: {  	v38 =	vpop (erf)  }
0x62: {  	v26 =	vadd.f32 v38, v26  }
0x63: {  	v39 =	vpop (erf)  }
0x64: {  	v26 =	vadd.f32 v39, v26  }
0x65: {  	v63 =	vsub.f32 v12, v12;
	v44 =	vpop (erf)  }
0x66: {  	v18 =	vsub.f32 v18, v12;
	v26 =	vadd.f32 v44, v26  }
0x67: {  	v47 =	vmul.f32 $1.442695020e+00, v63  }
0x68: {  	v21 =	vsub.f32 v21, v12;
	v18 =	vmul.f32 $1.442695020e+00, v18;
	(erf) = vrcp.f32 v26  }
0x69: {  	v42 =	vmax.f32 v32, v42;
	(erf) = vpow2.f32 v47  }
0x6a: {  	v51 =	vsub.f32 v42, v12;
	v50 =	vmul.f32 $1.442695020e+00, v21;
	(erf) = vpow2.f32 v18;
	_ =	sdelay $0x1  }
0x6b: {  	v19 =	vsub.f32 v19, v12;
	v52 =	vmul.f32 $1.442695020e+00, v51;
	(erf) = vpow2.f32 v50  }
0x6c: {  	v13 =	vmax.f32 v41, v13  }
0x6d: {  	v13 =	vsub.f32 v13, v12;
	v53 =	vmul.f32 $1.442695020e+00, v19;
	(erf) = vpow2.f32 v52;
	_ =	sdelay $0x1  }
0x6e: {  	v13 =	vmul.f32 $1.442695020e+00, v13;
	v54 =	vsub.f32 v25, v12;
	(erf) = vpow2.f32 v53  }
0x6f: {  	v19 =	vpop (erf)  }
0x70: {  	v56 =	vsub.f32 v28, v12;
	v55 =	vmul.f32 $1.442695020e+00, v54;
	(erf) = vpow2.f32 v13;
	v21 =	vpop (erf)  }
0x71: {  	v18 =	vpop (erf)  }
0x72: {  	v12 =	vmul.f32 $1.442695020e+00, v56;
	(erf) = vpow2.f32 v55;
	v57 =	vadd.f32 v18, v21  }
0x73: {  	v25 =	vpop (erf)  }
0x74: {  	(erf) = vpow2.f32 v12;
	v58 =	vadd.f32 v25, v57  }
0x75: {  	v13 =	vpop (erf)  }
0x76: {  	v12 =	vadd.f32 v13, v58  }
0x77: {  	v26 =	vpop (erf)  }
0x78: {  	v12 =	vadd.f32 v26, v12  }
0x79: {  	v31 =	vsel vm3, s12, v31;
	v35 =	vmul.f32 v19, v35;
	v28 =	vpop (erf)  }
0x7a: {  	v60 =	vor.u32 $0x2, v3;
	v59 =	vsel vm1, s12, v30;
	v12 =	vadd.f32 v28, v12  }
0x7b: {  	[tilespmem:v3+s8+$0x0] =	vst.idx.msk $0xffff, v59;
	v61 =	vsel vm1, v30, v31;
	v42 =	vpop (erf)  }
0x7c: {  	v63 =	vor.u32 $0x3, v3;
	v62 =	vmul.f32 v19, v34;
	[tilespmem:v3+s9+$0x0] =	vst.idx.msk $0xffff, v35;
	v12 =	vadd.f32 v42, v12  }
0x7d: {  	v27 =	vsel vm6, v40, v27;
	[tilespmem:v7+s8+$0x0] =	vst.idx.msk $0xffff, v61;
	v35 =	vpop (erf)  }
0x7e: {  	v40 =	vor.u32 $0x4, v3;
	v36 =	vmul.f32 v19, v36;
	[tilespmem:v7+s9+$0x0] =	vst.idx.msk $0xffff, v62;
	v12 =	vadd.f32 v35, v12  }
0x7f: {  	v24 =	vsel vm4, v43, v24;
	[tilespmem:v60+s8+$0x0] =	vst.idx.msk $0xffff, v27  }
0x80: {  	v43 =	vor.u32 $0x5, v3;
	v41 =	vmul.f32 v19, v33;
	[tilespmem:v60+s9+$0x0] =	vst.idx.msk $0xffff, v36;
	(erf) = vrcp.f32 v12  }
0x81: {  	[tilespmem:v63+s8+$0x0] =	vst.idx.msk $0xffff, v24  }
0x82: {  	v5 =	vsel vm10, v49, v5;
	v49 =	vor.u32 $0x6, v3;
	v47 =	vmul.f32 v19, v37;
	[tilespmem:v63+s9+$0x0] =	vst.idx.msk $0xffff, v41  }
0x83: {  	[tilespmem:v40+s8+$0x0] =	vst.idx.msk $0xffff, v5  }
0x84: {  	v50 =	vmul.f32 v19, v38;
	v3 =	vor.u32 $0x7, v3;
	[tilespmem:v40+s9+$0x0] =	vst.idx.msk $0xffff, v47  }
0x85: {  	[tilespmem:v43+s8+$0x0] =	vst.idx.msk $0xffff, v16  }
0x86: {  	v51 =	vsel vm9, v48, v17;
	v52 =	vmul.f32 v19, v39;
	[tilespmem:v43+s9+$0x0] =	vst.idx.msk $0xffff, v50  }
0x87: {  	v53 =	vsel vm8, v48, v23;
	[tilespmem:v49+s8+$0x0] =	vst.idx.msk $0xffff, v51  }
0x88: {  	v54 =	vsel vm9, v20, v53;
	v55 =	vmul.f32 v19, v44;
	[tilespmem:v49+s9+$0x0] =	vst.idx.msk $0xffff, v52  }
0x89: {  	[tilespmem:v3+s8+$0x0] =	vst.idx.msk $0xffff, v54;
	v56 =	vpop (erf)  }
0x8a: {  	v57 =	vor.u32 $0x2, v1;
	[tilespmem:v3+s9+$0x0] =	vst.idx.msk $0xffff, v55;
	v3 =	vmul.f32 v56, v21  }
0x8b: {  	[tilespmem:v1+s8+$0x0] =	vst.idx.msk $0xffff, v4  }
0x8c: {  	v59 =	vor.u32 $0x3, v1;
	v58 =	vsel vm0, v15, v10;
	[tilespmem:v1+s9+$0x0] =	vst.idx.msk $0xffff, v3;
	v3 =	vmul.f32 v56, v18  }
0x8d: {  	[tilespmem:v2+s8+$0x0] =	vst.idx.msk $0xffff, v58  }
0x8e: {  	[tilespmem:v2+s9+$0x0] =	vst.idx.msk $0xffff, v3;
	v2 =	vmul.f32 v56, v25;
	v3 =	vor.u32 $0x4, v1  }
0x8f: {  	[tilespmem:v57+s8+$0x0] =	vst.idx.msk $0xffff, v6  }
0x90: {  	v61 =	vor.u32 $0x5, v1;
	v60 =	vsel vm2, v22, v14;
	[tilespmem:v57+s9+$0x0] =	vst.idx.msk $0xffff, v2;
	v2 =	vmul.f32 v56, v13  }
0x91: {  	[tilespmem:v59+s8+$0x0] =	vst.idx.msk $0xffff, v60  }
0x92: {  	v62 =	vor.u32 $0x6, v1;
	[tilespmem:v59+s9+$0x0] =	vst.idx.msk $0xffff, v2;
	v2 =	vmul.f32 v56, v26  }
0x93: {  	[tilespmem:v3+s8+$0x0] =	vst.idx.msk $0xffff, v8  }
0x94: {  	s11 =	sadd.s32 $0x1, s11;
	v63 =	vsel vm5, v29, v11;
	v1 =	vor.u32 $0x7, v1;
	[tilespmem:v3+s9+$0x0] =	vst.idx.msk $0xffff, v2;
	v2 =	vmul.f32 v56, v28  }
0x95: {  	p0 =	sne.s32 s11, $0x6;
	[tilespmem:v61+s8+$0x0] =	vst.idx.msk $0xffff, v63  }
.Ltmp1:
0x96: {  	v3 =	vsel vm7, v45, v9;
	[tilespmem:v61+s9+$0x0] =	vst.idx.msk $0xffff, v2;
	v2 =	vmul.f32 v56, v42;
	(pc) =	sbr.rel @p0 .LBB2_2-.Ltmp1, $4  }
0x97: {  	[tilespmem:v62+s8+$0x0] =	vst.idx.msk $0xffff, v3  }
0x98: {  	v3 =	vsel vm7, v9, v46;
	[tilespmem:v62+s9+$0x0] =	vst.idx.msk $0xffff, v2;
	v2 =	vmul.f32 v56, v35  }
0x99: {  	[tilespmem:v1+s8+$0x0] =	vst.idx.msk $0xffff, v3  }
0x9a: {  	[tilespmem:v1+s9+$0x0] =	vst.idx.msk $0xffff, v2  }
0x9b: {  	[hbm4b:s4+s2] =	stream.linear.scatter [tilespmem:s8], [sflag:$0x1], $0x6000, $0x38;
	[tilespmem:$0x12000] =	vst v63  }
0x9c: {  	s10 =	sadd.s32 $0x1, s10;
	_ =	swait.ge [sflag:s7], $0x6000  }
0x9d: {  	p0 =	sne.s32 s10, s6;
	[sflag:s7] =	ssyncset.done $0x0  }
.Ltmp2:
0x9e: {  	[sflag:s7] =	ssyncadd.s32 $0xFFFFA000;
	(pc) =	sbr.rel @p0 .LBB2_1-.Ltmp2, $4  }
0x9f: {  	[hbm4b:s5+s2] =	stream.linear.scatter [tilespmem:s9], [sflag:$0x1], $0x6000, $0x38;
	[tilespmem:$0x12000] =	vst v63  }
0xa0: {  	_ =	swait.ge [sflag:s7], $0x6000  }
0xa1: {  	[sflag:s7] =	ssyncset.done $0x0  }
0xa2: {  	[sflag:s7] =	ssyncadd.s32 $0xFFFFA000  }
0xa3: {  	_ =	sfence.sel $0x180000  }
0xa4: {  	[bflag:$0x0] =	sbarrier.arrive $0xFFFF  }
0xa5: {  	p0 =	sne.s32 s0, $0x0;
	_ =	strace $0x90000047  }
0xa6: {  	s0 =	sadd.s32 @!p0 $0x100000, s1;
	[bflag:$0x2] =	sbarrier.arrive $0xFFFF  }
0xa7: {  	[sflag:s0] =	ssyncadd.tile.s32 @!p0 $0x1;
	_ =	shalt  }
.Lfunc_end2:
_tile_overlayer_lowered:
.L_overlay_start_2:
0xa8: {  	(tag) =	ssettag $0x2  }
0xa9: {  	s0 =	rddreg [dreg:$0x0];
	s2 =	stileid.u32  }
0xaa: {  	s1 =	rddreg [dreg:$0x1];
	p0 =	sne.s32 s2, $0x0  }
0xab: {  	s3 =	rddreg [dreg:$0x2];
	[bflag:$0x3] =	sbarrier.arrive $0xFFFF;
	s2 =	simm.s32 @!p0 $0x1C01  }
0xac: {  	[timem:s3], [sflag:s2] =	dma.local @!p0 [hbm:s0], s1  }
0xad: {  	s0 =	simm.s32 @!p0 $0x1  }
0xae: {  	_ =	swait.ge @!p0 [sflag:s0], s1  }
0xaf: {  	s1 =	ssub.s32 @!p0 $0x0, s1;
	[sflag:s0] =	ssyncset.done @!p0 $0x0  }
0xb0: {  	[sflag:s0] =	ssyncadd.s32 @!p0 s1  }
0xb1: {  	[bflag:$0x3] =	sbarrier.arrive $0xFFFF  }
0xb2: {  	_ =	shalt  }

</sc_bundles>
